<compile_context>
chip_gen: v7x
topology: tpu7x:2x2x1
jax: 0.10.2.dev20260603
libtpu: 0.0.44.dev20260713+nightly
codegen_flags: <defaults>
</compile_context>

<pallas_src>
import functools

import jax
import jax.numpy as jnp
from jax import lax
from jax.experimental import pallas as pl
from jax.experimental.pallas import tpu as pltpu
from jax.experimental.pallas import tpu_sc as plsc

_B = 10
_NPER = 1000
_D = 128
_E = 320000
_N = _B * _NPER

_NC = 2
_NS = 16
_NW = _NC * _NS
_EDGES_PER_TILE = _E // _NW
_CHUNK = 80
_NCHUNKS = _EDGES_PER_TILE // _CHUNK
_NPAD = 10240
_ROWS_PER_TILE = _NPAD // _NS

_sc_mesh = plsc.VectorSubcoreMesh(core_axis_name="c", subcore_axis_name="s")


@functools.partial(
    pl.kernel,
    out_type=[
        jax.ShapeDtypeStruct((_NC * _NPAD, _D), jnp.float32),
        jax.ShapeDtypeStruct((_NW * _NPAD,), jnp.float32),
    ],
    mesh=_sc_mesh,
    compiler_params=pltpu.CompilerParams(needs_layout_passes=False),
    scratch_types=[
        pltpu.VMEM_SHARED((_NPAD, _D), jnp.float32),
        pltpu.VMEM((6, _CHUNK), jnp.int32),
        pltpu.VMEM((6, _CHUNK), jnp.int32),
        pltpu.VMEM((_CHUNK, _D), jnp.float32),
        pltpu.VMEM((_CHUNK, _D), jnp.float32),
        pltpu.VMEM((_CHUNK, _D), jnp.float32),
        pltpu.VMEM((_NPAD,), jnp.float32),
        pltpu.SemaphoreType.DMA,
        pltpu.SemaphoreType.DMA,
        pltpu.SemaphoreType.DMA,
        pltpu.SemaphoreType.DMA,
        pltpu.SemaphoreType.DMA,
        pltpu.SemaphoreType.DMA,
        pltpu.SemaphoreType.DMA,
        pltpu.SemaphoreType.DMA,
        pltpu.SemaphoreType.DMA,
        pltpu.SemaphoreType.DMA,
        pltpu.SemaphoreType.DMA,
        pltpu.SemaphoreType.DMA,
    ],
)
def _sc_accumulate(h_hbm, src_hbm, dst_hbm, zf_hbm, z1_hbm,
                   psum_hbm, pcnt_hbm,
                   acc_sp, src_ring, dst_ring, rows0, rows1, rows2, cnt_v,
                   gsem0, gsem1, gsem2, ssem0, ssem1, ssem2,
                   isem0, isem1, isem2, isem3, isem4, isem5):
    cid = lax.axis_index("c")
    sid = lax.axis_index("s")
    rows = (rows0, rows1, rows2)
    gsem = (gsem0, gsem1, gsem2)
    ssem = (ssem0, ssem1, ssem2)
    isem = (isem0, isem1, isem2, isem3, isem4, isem5)

    tile_base = (cid * _NS + sid) * _EDGES_PER_TILE
    one16 = jnp.full((16,), 1.0, dtype=jnp.float32)

    def fire_idx(k, b6):
        base = tile_base + k * _CHUNK
        pltpu.async_copy(src_hbm.at[pl.ds(base, _CHUNK)], src_ring.at[b6], isem[b6])
        pltpu.async_copy(dst_hbm.at[pl.ds(base, _CHUNK)], dst_ring.at[b6], isem[b6])

    def wait_idx(k, b6):
        base = tile_base + k * _CHUNK
        pltpu.make_async_copy(
            src_hbm.at[pl.ds(base, _CHUNK)], src_ring.at[b6], isem[b6]).wait()
        pltpu.make_async_copy(
            dst_hbm.at[pl.ds(base, _CHUNK)], dst_ring.at[b6], isem[b6]).wait()

    zacc = pltpu.async_copy(
        zf_hbm, acc_sp.at[pl.ds(sid * _ROWS_PER_TILE, _ROWS_PER_TILE)], ssem0)
    zcnt = pltpu.async_copy(z1_hbm, cnt_v, ssem1)
    for j in range(5):
        fire_idx(j, j)
    zacc.wait()
    zcnt.wait()
    plsc.subcore_barrier()
    for b in range(2):
        wait_idx(b, b)
        pltpu.async_copy(h_hbm.at[src_ring.at[b]], rows[b], gsem[b])

    def step(k0, carry):
        for b in range(6):
            k = k0 * 6 + b
            b3 = b % 3
            b6 = b
            bn3 = (b + 2) % 3
            bn6 = (b + 2) % 6
            bp6 = (b + 5) % 6

            @pl.when(k < _NCHUNKS)
            def _():
                pltpu.make_async_copy(
                    h_hbm.at[src_ring.at[b6]], rows[b3], gsem[b3]).wait()
                pltpu.async_copy(
                    rows[b3], acc_sp.at[dst_ring.at[b6]], ssem[b3], add=True)

                @pl.when(k >= 1)
                def _():
                    pltpu.make_async_copy(
                        rows[bn3], acc_sp.at[dst_ring.at[bp6]], ssem[bn3]).wait()

                @pl.when(k + 5 < _NCHUNKS)
                def _():
                    fire_idx(k + 5, bp6)

                @pl.when(k + 2 < _NCHUNKS)
                def _():
                    wait_idx(k + 2, bn6)
                    pltpu.async_copy(
                        h_hbm.at[src_ring.at[bn6]], rows[bn3], gsem[bn3])

                for j in range(_CHUNK // 16):
                    d16 = dst_ring[b6, pl.ds(j * 16, 16)]
                    plsc.addupdate_scatter(cnt_v, [d16], one16)
        return carry

    lax.fori_loop(0, (_NCHUNKS + 5) // 6, step, 0)
    _LB3 = (_NCHUNKS - 1) % 3
    _LB6 = (_NCHUNKS - 1) % 6
    pltpu.make_async_copy(
        rows[_LB3], acc_sp.at[dst_ring.at[_LB6]], ssem[_LB3]).wait()
    cw = pltpu.async_copy(
        cnt_v, pcnt_hbm.at[pl.ds((cid * _NS + sid) * _NPAD, _NPAD)], gsem0)
    plsc.subcore_barrier()

    out_base = cid * _NPAD + sid * _ROWS_PER_TILE
    pltpu.sync_copy(acc_sp.at[pl.ds(sid * _ROWS_PER_TILE, _ROWS_PER_TILE)],
                    psum_hbm.at[pl.ds(out_base, _ROWS_PER_TILE)])
    cw.wait()


def _combine_body(ps_ref, pc_ref, h_ref, o_ref):
    s = ps_ref[0] + ps_ref[1]
    ones = jnp.ones((_NW, 1), jnp.float32)
    c = lax.dot_general(pc_ref[...], ones, (((0,), (0,)), ((), ())),
                        preferred_element_type=jnp.float32)
    mean = s / jnp.maximum(c, 1.0)
    o_ref[...] = jnp.where(c > 0.0, mean, h_ref[...])


_ROWS_BLK = 2048


def _tc_combine(psum, pcnt_t, h):
    return pl.pallas_call(
        _combine_body,
        grid=(_NPAD // _ROWS_BLK,),
        in_specs=[
            pl.BlockSpec((_NC, _ROWS_BLK, _D), lambda i: (0, i, 0)),
            pl.BlockSpec((_NW, _ROWS_BLK), lambda i: (0, i)),
            pl.BlockSpec((_ROWS_BLK, _D), lambda i: (i, 0)),
        ],
        out_specs=pl.BlockSpec((_ROWS_BLK, _D), lambda i: (i, 0)),
        out_shape=jax.ShapeDtypeStruct((_N, _D), jnp.float32),
    )(psum, pcnt_t, h)


def kernel(input_features, edge_index):
    h = input_features.reshape(_N, _D)
    src = edge_index[0]
    dst = edge_index[1]
    zf = jnp.zeros((_ROWS_PER_TILE, _D), jnp.float32)
    z1 = jnp.zeros((_NPAD,), jnp.float32)
    psum, pcnt = _sc_accumulate(h, src, dst, zf, z1)
    out = _tc_combine(psum.reshape(_NC, _NPAD, _D), pcnt.reshape(_NW, _NPAD), h)
    return out.reshape(_B, _NPER, _D)

# --- scband reference (transcript-rebuilt; emitter-appended) ---
"""Pipeline reference for scband-graph-pooling-57664230916668 (READ-ONLY COPY).

The authoritative reference and input builder live on the scoring server;
editing this copy changes nothing except your own understanding.
"""

import jax, jax.numpy as jnp
import numpy as np

B = 10
N_PER = 1000
D = 128
E = 320000
N = B * N_PER


def setup_inputs(seed: int = 0) -> dict:
    key = jax.random.key(seed)
    k1, k2 = jax.random.split(key)
    input_features = jax.random.normal(k1, (B, N_PER, D), dtype=jnp.float32)
    edge_index = jax.random.randint(k2, (2, E), 0, N, dtype=jnp.int32)
    return {"input_features": input_features, "edge_index": edge_index}


def reference(input_features, edge_index):
    # set_input_data with default indices: scatter input features onto all
    # batched-graph nodes, i.e. a flat reshape to [bz * nodes_per_graph, d].
    h = input_features.reshape(B * N_PER, D)
    src = edge_index[0]
    dst = edge_index[1]
    # msg_fn = copy_src('h' -> 'm'): gather source node features per edge.
    m = jnp.take(h, src, axis=0)
    # red_fn: mean over mailbox (incoming messages) per destination node.
    summed = jax.ops.segment_sum(m, dst, num_segments=N)
    count = jnp.bincount(dst, length=N).astype(h.dtype)
    mean_h = summed / jnp.maximum(count, 1.0)[:, None]
    # DGL update_all semantics: nodes with zero in-degree keep their old 'h'.
    h_new = jnp.where((count > 0.0)[:, None], mean_h, h)
    # get_output_data with default indices: gather all nodes back, view as
    # [bz, nodes_per_graph, d].
    output_features = h_new.reshape(B, N_PER, D)
    return output_features

if __name__ == "__main__":
    import jax
    _d = setup_inputs()
    print(jax.jit(kernel)(*tuple(_d.values())))

</pallas_src>

<mosaic_0001>
#map = affine_map<(d0, d1) -> (0, 0)>
#map1 = affine_map<(d0, d1) -> (0)>
module attributes {stable_mosaic.version = 14 : i64} {
  func.func @_sc_accumulate(%arg0: i32, %arg1: i32, %arg2: memref<10000x128xf32, #tpu.memory_space<hbm>>, %arg3: memref<320000xi32, #tpu.memory_space<hbm>>, %arg4: memref<320000xi32, #tpu.memory_space<hbm>>, %arg5: memref<640x128xf32, #tpu.memory_space<hbm>>, %arg6: memref<10240xf32, #tpu.memory_space<hbm>>, %arg7: memref<20480x128xf32, #tpu.memory_space<hbm>>, %arg8: memref<327680xf32, #tpu.memory_space<hbm>>, %arg9: memref<10240x128xf32, #tpu.memory_space<vmem_shared>>, %arg10: memref<6x80xi32, #tpu.memory_space<vmem>>, %arg11: memref<6x80xi32, #tpu.memory_space<vmem>>, %arg12: memref<80x128xf32, #tpu.memory_space<vmem>>, %arg13: memref<80x128xf32, #tpu.memory_space<vmem>>, %arg14: memref<80x128xf32, #tpu.memory_space<vmem>>, %arg15: memref<10240xf32, #tpu.memory_space<vmem>>, %arg16: memref<!tpu.dma_semaphore, #tpu.memory_space<semaphore_mem>>, %arg17: memref<!tpu.dma_semaphore, #tpu.memory_space<semaphore_mem>>, %arg18: memref<!tpu.dma_semaphore, #tpu.memory_space<semaphore_mem>>, %arg19: memref<!tpu.dma_semaphore, #tpu.memory_space<semaphore_mem>>, %arg20: memref<!tpu.dma_semaphore, #tpu.memory_space<semaphore_mem>>, %arg21: memref<!tpu.dma_semaphore, #tpu.memory_space<semaphore_mem>>, %arg22: memref<!tpu.dma_semaphore, #tpu.memory_space<semaphore_mem>>, %arg23: memref<!tpu.dma_semaphore, #tpu.memory_space<semaphore_mem>>, %arg24: memref<!tpu.dma_semaphore, #tpu.memory_space<semaphore_mem>>, %arg25: memref<!tpu.dma_semaphore, #tpu.memory_space<semaphore_mem>>, %arg26: memref<!tpu.dma_semaphore, #tpu.memory_space<semaphore_mem>>, %arg27: memref<!tpu.dma_semaphore, #tpu.memory_space<semaphore_mem>>) attributes {dimension_semantics = [#tpu.dimension_semantics<core_parallel>, #tpu.dimension_semantics<subcore_parallel>], iteration_bounds = array<i64: 2, 16>, scalar_prefetch = 0 : i64, scratch_operands = 19 : i64, tpu.core_type = #tpu.core_type<sc_vector_subcore>, window_params = [{transform_indices = #map}, {transform_indices = #map1}, {transform_indices = #map1}, {transform_indices = #map}, {transform_indices = #map1}, {transform_indices = #map}, {transform_indices = #map1}]} {
    %mul3A = arith.constant 16 : i32
    %mul3A_0 = arith.muli %arg0, %mul3A : i32
    %add3A = arith.addi %mul3A_0, %arg1 : i32
    %mul3A_1 = arith.constant 10000 : i32
    %mul3A_2 = arith.muli %add3A, %mul3A_1 : i32
    %broadcast_in_dim3A = arith.constant 1.000000e+00 : f32
    %broadcast_in_dim3A_3 = vector.broadcast %broadcast_in_dim3A : f32 to vector<16xf32>
    %mul3A_4 = arith.constant 640 : i32
    %mul3A_5 = arith.muli %arg1, %mul3A_4 : i32
    %dma_start3A = arith.constant 0 : i32
    %dma_start3A_6 = tpu.memref_slice %arg9[%mul3A_5, %dma_start3A] : memref<10240x128xf32, #tpu.memory_space<vmem_shared>> -> memref<640x128xf32, #tpu.memory_space<vmem_shared>>
    tpu.enqueue_dma source(%arg5 : memref<640x128xf32, #tpu.memory_space<hbm>>) target(%dma_start3A_6 : memref<640x128xf32, #tpu.memory_space<vmem_shared>>) target_semaphore(%arg19 : memref<!tpu.dma_semaphore, #tpu.memory_space<semaphore_mem>>)
    tpu.enqueue_dma source(%arg6 : memref<10240xf32, #tpu.memory_space<hbm>>) target(%arg15 : memref<10240xf32, #tpu.memory_space<vmem>>) target_semaphore(%arg20 : memref<!tpu.dma_semaphore, #tpu.memory_space<semaphore_mem>>)
    %add3A_7 = arith.constant 0 : i32
    %add3A_8 = arith.addi %mul3A_2, %add3A_7 : i32
    %dma_start3A_9 = arith.constant 0 : i32
    %dma_start3A_10 = arith.constant 0 : i32
    %dma_start3A_11 = tpu.memref_slice %arg10[%dma_start3A_9, %dma_start3A_10] : memref<6x80xi32, #tpu.memory_space<vmem>> -> memref<1x80xi32, #tpu.memory_space<vmem>>
    %dma_start3A_12 = tpu.memref_squeeze %dma_start3A_11 : memref<1x80xi32, #tpu.memory_space<vmem>> -> memref<80xi32, #tpu.memory_space<vmem>>
    %dma_start3A_13 = tpu.memref_slice %arg3[%add3A_8] : memref<320000xi32, #tpu.memory_space<hbm>> -> memref<80xi32, #tpu.memory_space<hbm>>
    %dma_start3A_14 = arith.constant 0 : i32
    %dma_start3A_15 = tpu.memref_slice %arg10[%dma_start3A_9, %dma_start3A_14] : memref<6x80xi32, #tpu.memory_space<vmem>> -> memref<1x80xi32, #tpu.memory_space<vmem>>
    %dma_start3A_16 = tpu.memref_squeeze %dma_start3A_15 : memref<1x80xi32, #tpu.memory_space<vmem>> -> memref<80xi32, #tpu.memory_space<vmem>>
    %dma_start3A_17 = tpu.memref_slice %arg3[%add3A_8] : memref<320000xi32, #tpu.memory_space<hbm>> -> memref<80xi32, #tpu.memory_space<hbm>>
    tpu.enqueue_dma source(%dma_start3A_17 : memref<80xi32, #tpu.memory_space<hbm>>) target(%dma_start3A_16 : memref<80xi32, #tpu.memory_space<vmem>>) target_semaphore(%arg22 : memref<!tpu.dma_semaphore, #tpu.memory_space<semaphore_mem>>)
    %dma_start3A_18 = arith.constant 0 : i32
    %dma_start3A_19 = arith.constant 0 : i32
    %dma_start3A_20 = tpu.memref_slice %arg11[%dma_start3A_18, %dma_start3A_19] : memref<6x80xi32, #tpu.memory_space<vmem>> -> memref<1x80xi32, #tpu.memory_space<vmem>>
    %dma_start3A_21 = tpu.memref_squeeze %dma_start3A_20 : memref<1x80xi32, #tpu.memory_space<vmem>> -> memref<80xi32, #tpu.memory_space<vmem>>
    %dma_start3A_22 = tpu.memref_slice %arg4[%add3A_8] : memref<320000xi32, #tpu.memory_space<hbm>> -> memref<80xi32, #tpu.memory_space<hbm>>
    %dma_start3A_23 = arith.constant 0 : i32
    %dma_start3A_24 = tpu.memref_slice %arg11[%dma_start3A_18, %dma_start3A_23] : memref<6x80xi32, #tpu.memory_space<vmem>> -> memref<1x80xi32, #tpu.memory_space<vmem>>
    %dma_start3A_25 = tpu.memref_squeeze %dma_start3A_24 : memref<1x80xi32, #tpu.memory_space<vmem>> -> memref<80xi32, #tpu.memory_space<vmem>>
    %dma_start3A_26 = tpu.memref_slice %arg4[%add3A_8] : memref<320000xi32, #tpu.memory_space<hbm>> -> memref<80xi32, #tpu.memory_space<hbm>>
    tpu.enqueue_dma source(%dma_start3A_26 : memref<80xi32, #tpu.memory_space<hbm>>) target(%dma_start3A_25 : memref<80xi32, #tpu.memory_space<vmem>>) target_semaphore(%arg22 : memref<!tpu.dma_semaphore, #tpu.memory_space<semaphore_mem>>)
    %add3A_27 = arith.constant 80 : i32
    %add3A_28 = arith.addi %mul3A_2, %add3A_27 : i32
    %dma_start3A_29 = arith.constant 1 : i32
    %dma_start3A_30 = arith.constant 0 : i32
    %dma_start3A_31 = tpu.memref_slice %arg10[%dma_start3A_29, %dma_start3A_30] : memref<6x80xi32, #tpu.memory_space<vmem>> -> memref<1x80xi32, #tpu.memory_space<vmem>>
    %dma_start3A_32 = tpu.memref_squeeze %dma_start3A_31 : memref<1x80xi32, #tpu.memory_space<vmem>> -> memref<80xi32, #tpu.memory_space<vmem>>
    %dma_start3A_33 = tpu.memref_slice %arg3[%add3A_28] : memref<320000xi32, #tpu.memory_space<hbm>> -> memref<80xi32, #tpu.memory_space<hbm>>
    %dma_start3A_34 = arith.constant 0 : i32
    %dma_start3A_35 = tpu.memref_slice %arg10[%dma_start3A_29, %dma_start3A_34] : memref<6x80xi32, #tpu.memory_space<vmem>> -> memref<1x80xi32, #tpu.memory_space<vmem>>
    %dma_start3A_36 = tpu.memref_squeeze %dma_start3A_35 : memref<1x80xi32, #tpu.memory_space<vmem>> -> memref<80xi32, #tpu.memory_space<vmem>>
    %dma_start3A_37 = tpu.memref_slice %arg3[%add3A_28] : memref<320000xi32, #tpu.memory_space<hbm>> -> memref<80xi32, #tpu.memory_space<hbm>>
    tpu.enqueue_dma source(%dma_start3A_37 : memref<80xi32, #tpu.memory_space<hbm>>) target(%dma_start3A_36 : memref<80xi32, #tpu.memory_space<vmem>>) target_semaphore(%arg23 : memref<!tpu.dma_semaphore, #tpu.memory_space<semaphore_mem>>)
    %dma_start3A_38 = arith.constant 1 : i32
    %dma_start3A_39 = arith.constant 0 : i32
    %dma_start3A_40 = tpu.memref_slice %arg11[%dma_start3A_38, %dma_start3A_39] : memref<6x80xi32, #tpu.memory_space<vmem>> -> memref<1x80xi32, #tpu.memory_space<vmem>>
    %dma_start3A_41 = tpu.memref_squeeze %dma_start3A_40 : memref<1x80xi32, #tpu.memory_space<vmem>> -> memref<80xi32, #tpu.memory_space<vmem>>
    %dma_start3A_42 = tpu.memref_slice %arg4[%add3A_28] : memref<320000xi32, #tpu.memory_space<hbm>> -> memref<80xi32, #tpu.memory_space<hbm>>
    %dma_start3A_43 = arith.constant 0 : i32
    %dma_start3A_44 = tpu.memref_slice %arg11[%dma_start3A_38, %dma_start3A_43] : memref<6x80xi32, #tpu.memory_space<vmem>> -> memref<1x80xi32, #tpu.memory_space<vmem>>
    %dma_start3A_45 = tpu.memref_squeeze %dma_start3A_44 : memref<1x80xi32, #tpu.memory_space<vmem>> -> memref<80xi32, #tpu.memory_space<vmem>>
    %dma_start3A_46 = tpu.memref_slice %arg4[%add3A_28] : memref<320000xi32, #tpu.memory_space<hbm>> -> memref<80xi32, #tpu.memory_space<hbm>>
    tpu.enqueue_dma source(%dma_start3A_46 : memref<80xi32, #tpu.memory_space<hbm>>) target(%dma_start3A_45 : memref<80xi32, #tpu.memory_space<vmem>>) target_semaphore(%arg23 : memref<!tpu.dma_semaphore, #tpu.memory_space<semaphore_mem>>)
    %add3A_47 = arith.constant 160 : i32
    %add3A_48 = arith.addi %mul3A_2, %add3A_47 : i32
    %dma_start3A_49 = arith.constant 2 : i32
    %dma_start3A_50 = arith.constant 0 : i32
    %dma_start3A_51 = tpu.memref_slice %arg10[%dma_start3A_49, %dma_start3A_50] : memref<6x80xi32, #tpu.memory_space<vmem>> -> memref<1x80xi32, #tpu.memory_space<vmem>>
    %dma_start3A_52 = tpu.memref_squeeze %dma_start3A_51 : memref<1x80xi32, #tpu.memory_space<vmem>> -> memref<80xi32, #tpu.memory_space<vmem>>
    %dma_start3A_53 = tpu.memref_slice %arg3[%add3A_48] : memref<320000xi32, #tpu.memory_space<hbm>> -> memref<80xi32, #tpu.memory_space<hbm>>
    %dma_start3A_54 = arith.constant 0 : i32
    %dma_start3A_55 = tpu.memref_slice %arg10[%dma_start3A_49, %dma_start3A_54] : memref<6x80xi32, #tpu.memory_space<vmem>> -> memref<1x80xi32, #tpu.memory_space<vmem>>
    %dma_start3A_56 = tpu.memref_squeeze %dma_start3A_55 : memref<1x80xi32, #tpu.memory_space<vmem>> -> memref<80xi32, #tpu.memory_space<vmem>>
    %dma_start3A_57 = tpu.memref_slice %arg3[%add3A_48] : memref<320000xi32, #tpu.memory_space<hbm>> -> memref<80xi32, #tpu.memory_space<hbm>>
    tpu.enqueue_dma source(%dma_start3A_57 : memref<80xi32, #tpu.memory_space<hbm>>) target(%dma_start3A_56 : memref<80xi32, #tpu.memory_space<vmem>>) target_semaphore(%arg24 : memref<!tpu.dma_semaphore, #tpu.memory_space<semaphore_mem>>)
    %dma_start3A_58 = arith.constant 2 : i32
    %dma_start3A_59 = arith.constant 0 : i32
    %dma_start3A_60 = tpu.memref_slice %arg11[%dma_start3A_58, %dma_start3A_59] : memref<6x80xi32, #tpu.memory_space<vmem>> -> memref<1x80xi32, #tpu.memory_space<vmem>>
    %dma_start3A_61 = tpu.memref_squeeze %dma_start3A_60 : memref<1x80xi32, #tpu.memory_space<vmem>> -> memref<80xi32, #tpu.memory_space<vmem>>
    %dma_start3A_62 = tpu.memref_slice %arg4[%add3A_48] : memref<320000xi32, #tpu.memory_space<hbm>> -> memref<80xi32, #tpu.memory_space<hbm>>
    %dma_start3A_63 = arith.constant 0 : i32
    %dma_start3A_64 = tpu.memref_slice %arg11[%dma_start3A_58, %dma_start3A_63] : memref<6x80xi32, #tpu.memory_space<vmem>> -> memref<1x80xi32, #tpu.memory_space<vmem>>
    %dma_start3A_65 = tpu.memref_squeeze %dma_start3A_64 : memref<1x80xi32, #tpu.memory_space<vmem>> -> memref<80xi32, #tpu.memory_space<vmem>>
    %dma_start3A_66 = tpu.memref_slice %arg4[%add3A_48] : memref<320000xi32, #tpu.memory_space<hbm>> -> memref<80xi32, #tpu.memory_space<hbm>>
    tpu.enqueue_dma source(%dma_start3A_66 : memref<80xi32, #tpu.memory_space<hbm>>) target(%dma_start3A_65 : memref<80xi32, #tpu.memory_space<vmem>>) target_semaphore(%arg24 : memref<!tpu.dma_semaphore, #tpu.memory_space<semaphore_mem>>)
    %add3A_67 = arith.constant 240 : i32
    %add3A_68 = arith.addi %mul3A_2, %add3A_67 : i32
    %dma_start3A_69 = arith.constant 3 : i32
    %dma_start3A_70 = arith.constant 0 : i32
    %dma_start3A_71 = tpu.memref_slice %arg10[%dma_start3A_69, %dma_start3A_70] : memref<6x80xi32, #tpu.memory_space<vmem>> -> memref<1x80xi32, #tpu.memory_space<vmem>>
    %dma_start3A_72 = tpu.memref_squeeze %dma_start3A_71 : memref<1x80xi32, #tpu.memory_space<vmem>> -> memref<80xi32, #tpu.memory_space<vmem>>
    %dma_start3A_73 = tpu.memref_slice %arg3[%add3A_68] : memref<320000xi32, #tpu.memory_space<hbm>> -> memref<80xi32, #tpu.memory_space<hbm>>
    %dma_start3A_74 = arith.constant 0 : i32
    %dma_start3A_75 = tpu.memref_slice %arg10[%dma_start3A_69, %dma_start3A_74] : memref<6x80xi32, #tpu.memory_space<vmem>> -> memref<1x80xi32, #tpu.memory_space<vmem>>
    %dma_start3A_76 = tpu.memref_squeeze %dma_start3A_75 : memref<1x80xi32, #tpu.memory_space<vmem>> -> memref<80xi32, #tpu.memory_space<vmem>>
    %dma_start3A_77 = tpu.memref_slice %arg3[%add3A_68] : memref<320000xi32, #tpu.memory_space<hbm>> -> memref<80xi32, #tpu.memory_space<hbm>>
    tpu.enqueue_dma source(%dma_start3A_77 : memref<80xi32, #tpu.memory_space<hbm>>) target(%dma_start3A_76 : memref<80xi32, #tpu.memory_space<vmem>>) target_semaphore(%arg25 : memref<!tpu.dma_semaphore, #tpu.memory_space<semaphore_mem>>)
    %dma_start3A_78 = arith.constant 3 : i32
    %dma_start3A_79 = arith.constant 0 : i32
    %dma_start3A_80 = tpu.memref_slice %arg11[%dma_start3A_78, %dma_start3A_79] : memref<6x80xi32, #tpu.memory_space<vmem>> -> memref<1x80xi32, #tpu.memory_space<vmem>>
    %dma_start3A_81 = tpu.memref_squeeze %dma_start3A_80 : memref<1x80xi32, #tpu.memory_space<vmem>> -> memref<80xi32, #tpu.memory_space<vmem>>
    %dma_start3A_82 = tpu.memref_slice %arg4[%add3A_68] : memref<320000xi32, #tpu.memory_space<hbm>> -> memref<80xi32, #tpu.memory_space<hbm>>
    %dma_start3A_83 = arith.constant 0 : i32
    %dma_start3A_84 = tpu.memref_slice %arg11[%dma_start3A_78, %dma_start3A_83] : memref<6x80xi32, #tpu.memory_space<vmem>> -> memref<1x80xi32, #tpu.memory_space<vmem>>
    %dma_start3A_85 = tpu.memref_squeeze %dma_start3A_84 : memref<1x80xi32, #tpu.memory_space<vmem>> -> memref<80xi32, #tpu.memory_space<vmem>>
    %dma_start3A_86 = tpu.memref_slice %arg4[%add3A_68] : memref<320000xi32, #tpu.memory_space<hbm>> -> memref<80xi32, #tpu.memory_space<hbm>>
    tpu.enqueue_dma source(%dma_start3A_86 : memref<80xi32, #tpu.memory_space<hbm>>) target(%dma_start3A_85 : memref<80xi32, #tpu.memory_space<vmem>>) target_semaphore(%arg25 : memref<!tpu.dma_semaphore, #tpu.memory_space<semaphore_mem>>)
    %add3A_87 = arith.constant 320 : i32
    %add3A_88 = arith.addi %mul3A_2, %add3A_87 : i32
    %dma_start3A_89 = arith.constant 4 : i32
    %dma_start3A_90 = arith.constant 0 : i32
    %dma_start3A_91 = tpu.memref_slice %arg10[%dma_start3A_89, %dma_start3A_90] : memref<6x80xi32, #tpu.memory_space<vmem>> -> memref<1x80xi32, #tpu.memory_space<vmem>>
    %dma_start3A_92 = tpu.memref_squeeze %dma_start3A_91 : memref<1x80xi32, #tpu.memory_space<vmem>> -> memref<80xi32, #tpu.memory_space<vmem>>
    %dma_start3A_93 = tpu.memref_slice %arg3[%add3A_88] : memref<320000xi32, #tpu.memory_space<hbm>> -> memref<80xi32, #tpu.memory_space<hbm>>
    %dma_start3A_94 = arith.constant 0 : i32
    %dma_start3A_95 = tpu.memref_slice %arg10[%dma_start3A_89, %dma_start3A_94] : memref<6x80xi32, #tpu.memory_space<vmem>> -> memref<1x80xi32, #tpu.memory_space<vmem>>
    %dma_start3A_96 = tpu.memref_squeeze %dma_start3A_95 : memref<1x80xi32, #tpu.memory_space<vmem>> -> memref<80xi32, #tpu.memory_space<vmem>>
    %dma_start3A_97 = tpu.memref_slice %arg3[%add3A_88] : memref<320000xi32, #tpu.memory_space<hbm>> -> memref<80xi32, #tpu.memory_space<hbm>>
    tpu.enqueue_dma source(%dma_start3A_97 : memref<80xi32, #tpu.memory_space<hbm>>) target(%dma_start3A_96 : memref<80xi32, #tpu.memory_space<vmem>>) target_semaphore(%arg26 : memref<!tpu.dma_semaphore, #tpu.memory_space<semaphore_mem>>)
    %dma_start3A_98 = arith.constant 4 : i32
    %dma_start3A_99 = arith.constant 0 : i32
    %dma_start3A_100 = tpu.memref_slice %arg11[%dma_start3A_98, %dma_start3A_99] : memref<6x80xi32, #tpu.memory_space<vmem>> -> memref<1x80xi32, #tpu.memory_space<vmem>>
    %dma_start3A_101 = tpu.memref_squeeze %dma_start3A_100 : memref<1x80xi32, #tpu.memory_space<vmem>> -> memref<80xi32, #tpu.memory_space<vmem>>
    %dma_start3A_102 = tpu.memref_slice %arg4[%add3A_88] : memref<320000xi32, #tpu.memory_space<hbm>> -> memref<80xi32, #tpu.memory_space<hbm>>
    %dma_start3A_103 = arith.constant 0 : i32
    %dma_start3A_104 = tpu.memref_slice %arg11[%dma_start3A_98, %dma_start3A_103] : memref<6x80xi32, #tpu.memory_space<vmem>> -> memref<1x80xi32, #tpu.memory_space<vmem>>
    %dma_start3A_105 = tpu.memref_squeeze %dma_start3A_104 : memref<1x80xi32, #tpu.memory_space<vmem>> -> memref<80xi32, #tpu.memory_space<vmem>>
    %dma_start3A_106 = tpu.memref_slice %arg4[%add3A_88] : memref<320000xi32, #tpu.memory_space<hbm>> -> memref<80xi32, #tpu.memory_space<hbm>>
    tpu.enqueue_dma source(%dma_start3A_106 : memref<80xi32, #tpu.memory_space<hbm>>) target(%dma_start3A_105 : memref<80xi32, #tpu.memory_space<vmem>>) target_semaphore(%arg26 : memref<!tpu.dma_semaphore, #tpu.memory_space<semaphore_mem>>)
    %dma_wait3A = arith.constant 0 : i32
    %dma_wait3A_107 = tpu.memref_slice %arg9[%mul3A_5, %dma_wait3A] : memref<10240x128xf32, #tpu.memory_space<vmem_shared>> -> memref<640x128xf32, #tpu.memory_space<vmem_shared>>
    tpu.wait_dma2 semaphore(%arg19 : memref<!tpu.dma_semaphore, #tpu.memory_space<semaphore_mem>>) src(%arg5 : memref<640x128xf32, #tpu.memory_space<hbm>>) dst(%dma_wait3A_107 : memref<640x128xf32, #tpu.memory_space<vmem_shared>>)
    tpu.wait_dma2 semaphore(%arg20 : memref<!tpu.dma_semaphore, #tpu.memory_space<semaphore_mem>>) src(%arg6 : memref<10240xf32, #tpu.memory_space<hbm>>) dst(%arg15 : memref<10240xf32, #tpu.memory_space<vmem>>)
    %barrier3A = arith.constant 0 : index
    tpu.barrier barrier_id(%barrier3A)
    %add3A_108 = arith.constant 0 : i32
    %add3A_109 = arith.addi %mul3A_2, %add3A_108 : i32
    %dma_wait3A_110 = arith.constant 0 : i32
    %dma_wait3A_111 = arith.constant 0 : i32
    %dma_wait3A_112 = tpu.memref_slice %arg10[%dma_wait3A_110, %dma_wait3A_111] : memref<6x80xi32, #tpu.memory_space<vmem>> -> memref<1x80xi32, #tpu.memory_space<vmem>>
    %dma_wait3A_113 = tpu.memref_squeeze %dma_wait3A_112 : memref<1x80xi32, #tpu.memory_space<vmem>> -> memref<80xi32, #tpu.memory_space<vmem>>
    %dma_wait3A_114 = tpu.memref_slice %arg3[%add3A_109] : memref<320000xi32, #tpu.memory_space<hbm>> -> memref<80xi32, #tpu.memory_space<hbm>>
    %dma_wait3A_115 = arith.constant 0 : i32
    %dma_wait3A_116 = tpu.memref_slice %arg10[%dma_wait3A_110, %dma_wait3A_115] : memref<6x80xi32, #tpu.memory_space<vmem>> -> memref<1x80xi32, #tpu.memory_space<vmem>>
    %dma_wait3A_117 = tpu.memref_squeeze %dma_wait3A_116 : memref<1x80xi32, #tpu.memory_space<vmem>> -> memref<80xi32, #tpu.memory_space<vmem>>
    %dma_wait3A_118 = tpu.memref_slice %arg3[%add3A_109] : memref<320000xi32, #tpu.memory_space<hbm>> -> memref<80xi32, #tpu.memory_space<hbm>>
    tpu.wait_dma2 semaphore(%arg22 : memref<!tpu.dma_semaphore, #tpu.memory_space<semaphore_mem>>) src(%dma_wait3A_118 : memref<80xi32, #tpu.memory_space<hbm>>) dst(%dma_wait3A_117 : memref<80xi32, #tpu.memory_space<vmem>>)
    %dma_wait3A_119 = arith.constant 0 : i32
    %dma_wait3A_120 = arith.constant 0 : i32
    %dma_wait3A_121 = tpu.memref_slice %arg11[%dma_wait3A_119, %dma_wait3A_120] : memref<6x80xi32, #tpu.memory_space<vmem>> -> memref<1x80xi32, #tpu.memory_space<vmem>>
    %dma_wait3A_122 = tpu.memref_squeeze %dma_wait3A_121 : memref<1x80xi32, #tpu.memory_space<vmem>> -> memref<80xi32, #tpu.memory_space<vmem>>
    %dma_wait3A_123 = tpu.memref_slice %arg4[%add3A_109] : memref<320000xi32, #tpu.memory_space<hbm>> -> memref<80xi32, #tpu.memory_space<hbm>>
    %dma_wait3A_124 = arith.constant 0 : i32
    %dma_wait3A_125 = tpu.memref_slice %arg11[%dma_wait3A_119, %dma_wait3A_124] : memref<6x80xi32, #tpu.memory_space<vmem>> -> memref<1x80xi32, #tpu.memory_space<vmem>>
    %dma_wait3A_126 = tpu.memref_squeeze %dma_wait3A_125 : memref<1x80xi32, #tpu.memory_space<vmem>> -> memref<80xi32, #tpu.memory_space<vmem>>
    %dma_wait3A_127 = tpu.memref_slice %arg4[%add3A_109] : memref<320000xi32, #tpu.memory_space<hbm>> -> memref<80xi32, #tpu.memory_space<hbm>>
    tpu.wait_dma2 semaphore(%arg22 : memref<!tpu.dma_semaphore, #tpu.memory_space<semaphore_mem>>) src(%dma_wait3A_127 : memref<80xi32, #tpu.memory_space<hbm>>) dst(%dma_wait3A_126 : memref<80xi32, #tpu.memory_space<vmem>>)
    %dma_start3A_128 = arith.constant 0 : i32
    %dma_start3A_129 = arith.constant 0 : i32
    %dma_start3A_130 = tpu.memref_slice %arg10[%dma_start3A_128, %dma_start3A_129] : memref<6x80xi32, #tpu.memory_space<vmem>> -> memref<1x80xi32, #tpu.memory_space<vmem>>
    %dma_start3A_131 = tpu.memref_squeeze %dma_start3A_130 : memref<1x80xi32, #tpu.memory_space<vmem>> -> memref<80xi32, #tpu.memory_space<vmem>>
    %dma_start3A_132 = arith.constant 0 : i32
    %dma_start3A_133 = arith.constant 0 : i32
    %dma_start3A_134 = tpu.memref_slice %arg2[%dma_start3A_132, %dma_start3A_133] : memref<10000x128xf32, #tpu.memory_space<hbm>> -> memref<10000x128xf32, #tpu.memory_space<hbm>>
    tpu.enqueue_indirect_dma source(%dma_start3A_134 : memref<10000x128xf32, #tpu.memory_space<hbm>>) target(%arg12 : memref<80x128xf32, #tpu.memory_space<vmem>>) offsets(%dma_start3A_131 : memref<80xi32, #tpu.memory_space<vmem>>) semaphore(%arg16 : memref<!tpu.dma_semaphore, #tpu.memory_space<semaphore_mem>>)
    %add3A_135 = arith.constant 80 : i32
    %add3A_136 = arith.addi %mul3A_2, %add3A_135 : i32
    %dma_wait3A_137 = arith.constant 1 : i32
    %dma_wait3A_138 = arith.constant 0 : i32
    %dma_wait3A_139 = tpu.memref_slice %arg10[%dma_wait3A_137, %dma_wait3A_138] : memref<6x80xi32, #tpu.memory_space<vmem>> -> memref<1x80xi32, #tpu.memory_space<vmem>>
    %dma_wait3A_140 = tpu.memref_squeeze %dma_wait3A_139 : memref<1x80xi32, #tpu.memory_space<vmem>> -> memref<80xi32, #tpu.memory_space<vmem>>
    %dma_wait3A_141 = tpu.memref_slice %arg3[%add3A_136] : memref<320000xi32, #tpu.memory_space<hbm>> -> memref<80xi32, #tpu.memory_space<hbm>>
    %dma_wait3A_142 = arith.constant 0 : i32
    %dma_wait3A_143 = tpu.memref_slice %arg10[%dma_wait3A_137, %dma_wait3A_142] : memref<6x80xi32, #tpu.memory_space<vmem>> -> memref<1x80xi32, #tpu.memory_space<vmem>>
    %dma_wait3A_144 = tpu.memref_squeeze %dma_wait3A_143 : memref<1x80xi32, #tpu.memory_space<vmem>> -> memref<80xi32, #tpu.memory_space<vmem>>
    %dma_wait3A_145 = tpu.memref_slice %arg3[%add3A_136] : memref<320000xi32, #tpu.memory_space<hbm>> -> memref<80xi32, #tpu.memory_space<hbm>>
    tpu.wait_dma2 semaphore(%arg23 : memref<!tpu.dma_semaphore, #tpu.memory_space<semaphore_mem>>) src(%dma_wait3A_145 : memref<80xi32, #tpu.memory_space<hbm>>) dst(%dma_wait3A_144 : memref<80xi32, #tpu.memory_space<vmem>>)
    %dma_wait3A_146 = arith.constant 1 : i32
    %dma_wait3A_147 = arith.constant 0 : i32
    %dma_wait3A_148 = tpu.memref_slice %arg11[%dma_wait3A_146, %dma_wait3A_147] : memref<6x80xi32, #tpu.memory_space<vmem>> -> memref<1x80xi32, #tpu.memory_space<vmem>>
    %dma_wait3A_149 = tpu.memref_squeeze %dma_wait3A_148 : memref<1x80xi32, #tpu.memory_space<vmem>> -> memref<80xi32, #tpu.memory_space<vmem>>
    %dma_wait3A_150 = tpu.memref_slice %arg4[%add3A_136] : memref<320000xi32, #tpu.memory_space<hbm>> -> memref<80xi32, #tpu.memory_space<hbm>>
    %dma_wait3A_151 = arith.constant 0 : i32
    %dma_wait3A_152 = tpu.memref_slice %arg11[%dma_wait3A_146, %dma_wait3A_151] : memref<6x80xi32, #tpu.memory_space<vmem>> -> memref<1x80xi32, #tpu.memory_space<vmem>>
    %dma_wait3A_153 = tpu.memref_squeeze %dma_wait3A_152 : memref<1x80xi32, #tpu.memory_space<vmem>> -> memref<80xi32, #tpu.memory_space<vmem>>
    %dma_wait3A_154 = tpu.memref_slice %arg4[%add3A_136] : memref<320000xi32, #tpu.memory_space<hbm>> -> memref<80xi32, #tpu.memory_space<hbm>>
    tpu.wait_dma2 semaphore(%arg23 : memref<!tpu.dma_semaphore, #tpu.memory_space<semaphore_mem>>) src(%dma_wait3A_154 : memref<80xi32, #tpu.memory_space<hbm>>) dst(%dma_wait3A_153 : memref<80xi32, #tpu.memory_space<vmem>>)
    %dma_start3A_155 = arith.constant 1 : i32
    %dma_start3A_156 = arith.constant 0 : i32
    %dma_start3A_157 = tpu.memref_slice %arg10[%dma_start3A_155, %dma_start3A_156] : memref<6x80xi32, #tpu.memory_space<vmem>> -> memref<1x80xi32, #tpu.memory_space<vmem>>
    %dma_start3A_158 = tpu.memref_squeeze %dma_start3A_157 : memref<1x80xi32, #tpu.memory_space<vmem>> -> memref<80xi32, #tpu.memory_space<vmem>>
    %dma_start3A_159 = arith.constant 0 : i32
    %dma_start3A_160 = arith.constant 0 : i32
    %dma_start3A_161 = tpu.memref_slice %arg2[%dma_start3A_159, %dma_start3A_160] : memref<10000x128xf32, #tpu.memory_space<hbm>> -> memref<10000x128xf32, #tpu.memory_space<hbm>>
    tpu.enqueue_indirect_dma source(%dma_start3A_161 : memref<10000x128xf32, #tpu.memory_space<hbm>>) target(%arg13 : memref<80x128xf32, #tpu.memory_space<vmem>>) offsets(%dma_start3A_158 : memref<80xi32, #tpu.memory_space<vmem>>) semaphore(%arg17 : memref<!tpu.dma_semaphore, #tpu.memory_space<semaphore_mem>>)
    %scan3A = arith.constant 0 : i32
    %scan3A_162 = arith.constant 0 : i32
    %scan3A_163 = arith.constant 21 : i32
    %scan3A_164 = arith.addi %scan3A_162, %scan3A_163 : i32
    %scan3A_165 = arith.constant 1 : i32
    scf.for %scan3A_191 = %scan3A_162 to %scan3A_164 step %scan3A_165  : i32 {
      %mul3A_192 = arith.constant 6 : i32
      %mul3A_193 = arith.muli %scan3A_191, %mul3A_192 : i32
      %add3A_194 = arith.constant 0 : i32
      %add3A_195 = arith.addi %mul3A_193, %add3A_194 : i32
      %lt3A = arith.constant 125 : i32
      %lt3A_196 = arith.cmpi slt, %add3A_195, %lt3A : i32
      %convert_element_type3A = arith.extui %lt3A_196 : i1 to i32
      %cond3A = arith.constant 0 : i32
      %cond3A_197 = arith.cmpi ne, %convert_element_type3A, %cond3A : i32
      scf.if %cond3A_197 {
        %dma_wait3A_243 = arith.constant 0 : i32
        %dma_wait3A_244 = arith.constant 0 : i32
        %dma_wait3A_245 = tpu.memref_slice %arg10[%dma_wait3A_243, %dma_wait3A_244] : memref<6x80xi32, #tpu.memory_space<vmem>> -> memref<1x80xi32, #tpu.memory_space<vmem>>
        %dma_wait3A_246 = tpu.memref_squeeze %dma_wait3A_245 : memref<1x80xi32, #tpu.memory_space<vmem>> -> memref<80xi32, #tpu.memory_space<vmem>>
        %dma_wait3A_247 = arith.constant 0 : i32
        %dma_wait3A_248 = arith.constant 0 : i32
        %dma_wait3A_249 = tpu.memref_slice %arg2[%dma_wait3A_247, %dma_wait3A_248] : memref<10000x128xf32, #tpu.memory_space<hbm>> -> memref<10000x128xf32, #tpu.memory_space<hbm>>
        tpu.wait_indirect_dma semaphore(%arg16 : memref<!tpu.dma_semaphore, #tpu.memory_space<semaphore_mem>>) src(%dma_wait3A_249 : memref<10000x128xf32, #tpu.memory_space<hbm>>) dst(%arg12 : memref<80x128xf32, #tpu.memory_space<vmem>>)
        %dma_start3A_250 = arith.constant 0 : i32
        %dma_start3A_251 = arith.constant 0 : i32
        %dma_start3A_252 = tpu.memref_slice %arg11[%dma_start3A_250, %dma_start3A_251] : memref<6x80xi32, #tpu.memory_space<vmem>> -> memref<1x80xi32, #tpu.memory_space<vmem>>
        %dma_start3A_253 = tpu.memref_squeeze %dma_start3A_252 : memref<1x80xi32, #tpu.memory_space<vmem>> -> memref<80xi32, #tpu.memory_space<vmem>>
        %dma_start3A_254 = arith.constant 0 : i32
        %dma_start3A_255 = arith.constant 0 : i32
        %dma_start3A_256 = tpu.memref_slice %arg9[%dma_start3A_254, %dma_start3A_255] : memref<10240x128xf32, #tpu.memory_space<vmem_shared>> -> memref<10240x128xf32, #tpu.memory_space<vmem_shared>>
        tpu.enqueue_indirect_dma source(%arg12 : memref<80x128xf32, #tpu.memory_space<vmem>>) target(%dma_start3A_256 : memref<10240x128xf32, #tpu.memory_space<vmem_shared>>) offsets(%dma_start3A_253 : memref<80xi32, #tpu.memory_space<vmem>>) semaphore(%arg19 : memref<!tpu.dma_semaphore, #tpu.memory_space<semaphore_mem>>) {add = true}
        %ge3A = arith.constant 1 : i32
        %ge3A_257 = arith.cmpi sge, %add3A_195, %ge3A : i32
        %convert_element_type3A_258 = arith.extui %ge3A_257 : i1 to i32
        %cond3A_259 = arith.constant 0 : i32
        %cond3A_260 = arith.cmpi ne, %convert_element_type3A_258, %cond3A_259 : i32
        scf.if %cond3A_260 {
          %dma_wait3A_294 = arith.constant 5 : i32
          %dma_wait3A_295 = arith.constant 0 : i32
          %dma_wait3A_296 = tpu.memref_slice %arg11[%dma_wait3A_294, %dma_wait3A_295] : memref<6x80xi32, #tpu.memory_space<vmem>> -> memref<1x80xi32, #tpu.memory_space<vmem>>
          %dma_wait3A_297 = tpu.memref_squeeze %dma_wait3A_296 : memref<1x80xi32, #tpu.memory_space<vmem>> -> memref<80xi32, #tpu.memory_space<vmem>>
          %dma_wait3A_298 = arith.constant 0 : i32
          %dma_wait3A_299 = arith.constant 0 : i32
          %dma_wait3A_300 = tpu.memref_slice %arg9[%dma_wait3A_298, %dma_wait3A_299] : memref<10240x128xf32, #tpu.memory_space<vmem_shared>> -> memref<10240x128xf32, #tpu.memory_space<vmem_shared>>
          tpu.wait_indirect_dma semaphore(%arg21 : memref<!tpu.dma_semaphore, #tpu.memory_space<semaphore_mem>>) src(%arg14 : memref<80x128xf32, #tpu.memory_space<vmem>>) dst(%dma_wait3A_300 : memref<10240x128xf32, #tpu.memory_space<vmem_shared>>)
        } else {
        }
        %add3A_261 = arith.constant 5 : i32
        %add3A_262 = arith.addi %add3A_195, %add3A_261 : i32
        %lt3A_263 = arith.constant 125 : i32
        %lt3A_264 = arith.cmpi slt, %add3A_262, %lt3A_263 : i32
        %convert_element_type3A_265 = arith.extui %lt3A_264 : i1 to i32
        %cond3A_266 = arith.constant 0 : i32
        %cond3A_267 = arith.cmpi ne, %convert_element_type3A_265, %cond3A_266 : i32
        scf.if %cond3A_267 {
          %add3A_294 = arith.constant 5 : i32
          %add3A_295 = arith.addi %add3A_195, %add3A_294 : i32
          %mul3A_296 = arith.constant 80 : i32
          %mul3A_297 = arith.muli %add3A_295, %mul3A_296 : i32
          %add3A_298 = arith.addi %mul3A_2, %mul3A_297 : i32
          %dma_start3A_299 = arith.constant 5 : i32
          %dma_start3A_300 = arith.constant 0 : i32
          %dma_start3A_301 = tpu.memref_slice %arg10[%dma_start3A_299, %dma_start3A_300] : memref<6x80xi32, #tpu.memory_space<vmem>> -> memref<1x80xi32, #tpu.memory_space<vmem>>
          %dma_start3A_302 = tpu.memref_squeeze %dma_start3A_301 : memref<1x80xi32, #tpu.memory_space<vmem>> -> memref<80xi32, #tpu.memory_space<vmem>>
          %dma_start3A_303 = tpu.memref_slice %arg3[%add3A_298] : memref<320000xi32, #tpu.memory_space<hbm>> -> memref<80xi32, #tpu.memory_space<hbm>>
          %dma_start3A_304 = arith.constant 0 : i32
          %dma_start3A_305 = tpu.memref_slice %arg10[%dma_start3A_299, %dma_start3A_304] : memref<6x80xi32, #tpu.memory_space<vmem>> -> memref<1x80xi32, #tpu.memory_space<vmem>>
          %dma_start3A_306 = tpu.memref_squeeze %dma_start3A_305 : memref<1x80xi32, #tpu.memory_space<vmem>> -> memref<80xi32, #tpu.memory_space<vmem>>
          %dma_start3A_307 = tpu.memref_slice %arg3[%add3A_298] : memref<320000xi32, #tpu.memory_space<hbm>> -> memref<80xi32, #tpu.memory_space<hbm>>
          tpu.enqueue_dma source(%dma_start3A_307 : memref<80xi32, #tpu.memory_space<hbm>>) target(%dma_start3A_306 : memref<80xi32, #tpu.memory_space<vmem>>) target_semaphore(%arg27 : memref<!tpu.dma_semaphore, #tpu.memory_space<semaphore_mem>>)
          %dma_start3A_308 = arith.constant 5 : i32
          %dma_start3A_309 = arith.constant 0 : i32
          %dma_start3A_310 = tpu.memref_slice %arg11[%dma_start3A_308, %dma_start3A_309] : memref<6x80xi32, #tpu.memory_space<vmem>> -> memref<1x80xi32, #tpu.memory_space<vmem>>
          %dma_start3A_311 = tpu.memref_squeeze %dma_start3A_310 : memref<1x80xi32, #tpu.memory_space<vmem>> -> memref<80xi32, #tpu.memory_space<vmem>>
          %dma_start3A_312 = tpu.memref_slice %arg4[%add3A_298] : memref<320000xi32, #tpu.memory_space<hbm>> -> memref<80xi32, #tpu.memory_space<hbm>>
          %dma_start3A_313 = arith.constant 0 : i32
          %dma_start3A_314 = tpu.memref_slice %arg11[%dma_start3A_308, %dma_start3A_313] : memref<6x80xi32, #tpu.memory_space<vmem>> -> memref<1x80xi32, #tpu.memory_space<vmem>>
          %dma_start3A_315 = tpu.memref_squeeze %dma_start3A_314 : memref<1x80xi32, #tpu.memory_space<vmem>> -> memref<80xi32, #tpu.memory_space<vmem>>
          %dma_start3A_316 = tpu.memref_slice %arg4[%add3A_298] : memref<320000xi32, #tpu.memory_space<hbm>> -> memref<80xi32, #tpu.memory_space<hbm>>
          tpu.enqueue_dma source(%dma_start3A_316 : memref<80xi32, #tpu.memory_space<hbm>>) target(%dma_start3A_315 : memref<80xi32, #tpu.memory_space<vmem>>) target_semaphore(%arg27 : memref<!tpu.dma_semaphore, #tpu.memory_space<semaphore_mem>>)
        } else {
        }
        %add3A_268 = arith.constant 2 : i32
        %add3A_269 = arith.addi %add3A_195, %add3A_268 : i32
        %lt3A_270 = arith.constant 125 : i32
        %lt3A_271 = arith.cmpi slt, %add3A_269, %lt3A_270 : i32
        %convert_element_type3A_272 = arith.extui %lt3A_271 : i1 to i32
        %cond3A_273 = arith.constant 0 : i32
        %cond3A_274 = arith.cmpi ne, %convert_element_type3A_272, %cond3A_273 : i32
        scf.if %cond3A_274 {
          %add3A_294 = arith.constant 2 : i32
          %add3A_295 = arith.addi %add3A_195, %add3A_294 : i32
          %mul3A_296 = arith.constant 80 : i32
          %mul3A_297 = arith.muli %add3A_295, %mul3A_296 : i32
          %add3A_298 = arith.addi %mul3A_2, %mul3A_297 : i32
          %dma_wait3A_299 = arith.constant 2 : i32
          %dma_wait3A_300 = arith.constant 0 : i32
          %dma_wait3A_301 = tpu.memref_slice %arg10[%dma_wait3A_299, %dma_wait3A_300] : memref<6x80xi32, #tpu.memory_space<vmem>> -> memref<1x80xi32, #tpu.memory_space<vmem>>
          %dma_wait3A_302 = tpu.memref_squeeze %dma_wait3A_301 : memref<1x80xi32, #tpu.memory_space<vmem>> -> memref<80xi32, #tpu.memory_space<vmem>>
          %dma_wait3A_303 = tpu.memref_slice %arg3[%add3A_298] : memref<320000xi32, #tpu.memory_space<hbm>> -> memref<80xi32, #tpu.memory_space<hbm>>
          %dma_wait3A_304 = arith.constant 0 : i32
          %dma_wait3A_305 = tpu.memref_slice %arg10[%dma_wait3A_299, %dma_wait3A_304] : memref<6x80xi32, #tpu.memory_space<vmem>> -> memref<1x80xi32, #tpu.memory_space<vmem>>
          %dma_wait3A_306 = tpu.memref_squeeze %dma_wait3A_305 : memref<1x80xi32, #tpu.memory_space<vmem>> -> memref<80xi32, #tpu.memory_space<vmem>>
          %dma_wait3A_307 = tpu.memref_slice %arg3[%add3A_298] : memref<320000xi32, #tpu.memory_space<hbm>> -> memref<80xi32, #tpu.memory_space<hbm>>
          tpu.wait_dma2 semaphore(%arg24 : memref<!tpu.dma_semaphore, #tpu.memory_space<semaphore_mem>>) src(%dma_wait3A_307 : memref<80xi32, #tpu.memory_space<hbm>>) dst(%dma_wait3A_306 : memref<80xi32, #tpu.memory_space<vmem>>)
          %dma_wait3A_308 = arith.constant 2 : i32
          %dma_wait3A_309 = arith.constant 0 : i32
          %dma_wait3A_310 = tpu.memref_slice %arg11[%dma_wait3A_308, %dma_wait3A_309] : memref<6x80xi32, #tpu.memory_space<vmem>> -> memref<1x80xi32, #tpu.memory_space<vmem>>
          %dma_wait3A_311 = tpu.memref_squeeze %dma_wait3A_310 : memref<1x80xi32, #tpu.memory_space<vmem>> -> memref<80xi32, #tpu.memory_space<vmem>>
          %dma_wait3A_312 = tpu.memref_slice %arg4[%add3A_298] : memref<320000xi32, #tpu.memory_space<hbm>> -> memref<80xi32, #tpu.memory_space<hbm>>
          %dma_wait3A_313 = arith.constant 0 : i32
          %dma_wait3A_314 = tpu.memref_slice %arg11[%dma_wait3A_308, %dma_wait3A_313] : memref<6x80xi32, #tpu.memory_space<vmem>> -> memref<1x80xi32, #tpu.memory_space<vmem>>
          %dma_wait3A_315 = tpu.memref_squeeze %dma_wait3A_314 : memref<1x80xi32, #tpu.memory_space<vmem>> -> memref<80xi32, #tpu.memory_space<vmem>>
          %dma_wait3A_316 = tpu.memref_slice %arg4[%add3A_298] : memref<320000xi32, #tpu.memory_space<hbm>> -> memref<80xi32, #tpu.memory_space<hbm>>
          tpu.wait_dma2 semaphore(%arg24 : memref<!tpu.dma_semaphore, #tpu.memory_space<semaphore_mem>>) src(%dma_wait3A_316 : memref<80xi32, #tpu.memory_space<hbm>>) dst(%dma_wait3A_315 : memref<80xi32, #tpu.memory_space<vmem>>)
          %dma_start3A_317 = arith.constant 2 : i32
          %dma_start3A_318 = arith.constant 0 : i32
          %dma_start3A_319 = tpu.memref_slice %arg10[%dma_start3A_317, %dma_start3A_318] : memref<6x80xi32, #tpu.memory_space<vmem>> -> memref<1x80xi32, #tpu.memory_space<vmem>>
          %dma_start3A_320 = tpu.memref_squeeze %dma_start3A_319 : memref<1x80xi32, #tpu.memory_space<vmem>> -> memref<80xi32, #tpu.memory_space<vmem>>
          %dma_start3A_321 = arith.constant 0 : i32
          %dma_start3A_322 = arith.constant 0 : i32
          %dma_start3A_323 = tpu.memref_slice %arg2[%dma_start3A_321, %dma_start3A_322] : memref<10000x128xf32, #tpu.memory_space<hbm>> -> memref<10000x128xf32, #tpu.memory_space<hbm>>
          tpu.enqueue_indirect_dma source(%dma_start3A_323 : memref<10000x128xf32, #tpu.memory_space<hbm>>) target(%arg14 : memref<80x128xf32, #tpu.memory_space<vmem>>) offsets(%dma_start3A_320 : memref<80xi32, #tpu.memory_space<vmem>>) semaphore(%arg18 : memref<!tpu.dma_semaphore, #tpu.memory_space<semaphore_mem>>)
        } else {
        }
        %get3A = arith.constant 0 : i32
        %get3A_275 = arith.index_cast %get3A : i32 to index
        %get3A_276 = arith.constant 0 : index
        %get3A_277 = tpu.vector_load %arg11[%get3A_275, %get3A_276] {strides = array<i32>} : memref<6x80xi32, #tpu.memory_space<vmem>>, vector<16xi32>,
        tpu.vector_store_idx %arg15[%get3A_277], %broadcast_in_dim3A_3 {add = true} : memref<10240xf32, #tpu.memory_space<vmem>>[vector<16xi32>], vector<16xf32>,
        %get3A_278 = arith.constant 0 : i32
        %get3A_279 = arith.index_cast %get3A_278 : i32 to index
        %get3A_280 = arith.constant 16 : index
        %get3A_281 = tpu.vector_load %arg11[%get3A_279, %get3A_280] {strides = array<i32>} : memref<6x80xi32, #tpu.memory_space<vmem>>, vector<16xi32>,
        tpu.vector_store_idx %arg15[%get3A_281], %broadcast_in_dim3A_3 {add = true} : memref<10240xf32, #tpu.memory_space<vmem>>[vector<16xi32>], vector<16xf32>,
        %get3A_282 = arith.constant 0 : i32
        %get3A_283 = arith.index_cast %get3A_282 : i32 to index
        %get3A_284 = arith.constant 32 : index
        %get3A_285 = tpu.vector_load %arg11[%get3A_283, %get3A_284] {strides = array<i32>} : memref<6x80xi32, #tpu.memory_space<vmem>>, vector<16xi32>,
        tpu.vector_store_idx %arg15[%get3A_285], %broadcast_in_dim3A_3 {add = true} : memref<10240xf32, #tpu.memory_space<vmem>>[vector<16xi32>], vector<16xf32>,
        %get3A_286 = arith.constant 0 : i32
        %get3A_287 = arith.index_cast %get3A_286 : i32 to index
        %get3A_288 = arith.constant 48 : index
        %get3A_289 = tpu.vector_load %arg11[%get3A_287, %get3A_288] {strides = array<i32>} : memref<6x80xi32, #tpu.memory_space<vmem>>, vector<16xi32>,
        tpu.vector_store_idx %arg15[%get3A_289], %broadcast_in_dim3A_3 {add = true} : memref<10240xf32, #tpu.memory_space<vmem>>[vector<16xi32>], vector<16xf32>,
        %get3A_290 = arith.constant 0 : i32
        %get3A_291 = arith.index_cast %get3A_290 : i32 to index
        %get3A_292 = arith.constant 64 : index
        %get3A_293 = tpu.vector_load %arg11[%get3A_291, %get3A_292] {strides = array<i32>} : memref<6x80xi32, #tpu.memory_space<vmem>>, vector<16xi32>,
        tpu.vector_store_idx %arg15[%get3A_293], %broadcast_in_dim3A_3 {add = true} : memref<10240xf32, #tpu.memory_space<vmem>>[vector<16xi32>], vector<16xf32>,
      } else {
      }
      %mul3A_198 = arith.constant 6 : i32
      %mul3A_199 = arith.muli %scan3A_191, %mul3A_198 : i32
      %add3A_200 = arith.constant 1 : i32
      %add3A_201 = arith.addi %mul3A_199, %add3A_200 : i32
      %lt3A_202 = arith.constant 125 : i32
      %lt3A_203 = arith.cmpi slt, %add3A_201, %lt3A_202 : i32
      %convert_element_type3A_204 = arith.extui %lt3A_203 : i1 to i32
      %cond3A_205 = arith.constant 0 : i32
      %cond3A_206 = arith.cmpi ne, %convert_element_type3A_204, %cond3A_205 : i32
      scf.if %cond3A_206 {
        %dma_wait3A_243 = arith.constant 1 : i32
        %dma_wait3A_244 = arith.constant 0 : i32
        %dma_wait3A_245 = tpu.memref_slice %arg10[%dma_wait3A_243, %dma_wait3A_244] : memref<6x80xi32, #tpu.memory_space<vmem>> -> memref<1x80xi32, #tpu.memory_space<vmem>>
        %dma_wait3A_246 = tpu.memref_squeeze %dma_wait3A_245 : memref<1x80xi32, #tpu.memory_space<vmem>> -> memref<80xi32, #tpu.memory_space<vmem>>
        %dma_wait3A_247 = arith.constant 0 : i32
        %dma_wait3A_248 = arith.constant 0 : i32
        %dma_wait3A_249 = tpu.memref_slice %arg2[%dma_wait3A_247, %dma_wait3A_248] : memref<10000x128xf32, #tpu.memory_space<hbm>> -> memref<10000x128xf32, #tpu.memory_space<hbm>>
        tpu.wait_indirect_dma semaphore(%arg17 : memref<!tpu.dma_semaphore, #tpu.memory_space<semaphore_mem>>) src(%dma_wait3A_249 : memref<10000x128xf32, #tpu.memory_space<hbm>>) dst(%arg13 : memref<80x128xf32, #tpu.memory_space<vmem>>)
        %dma_start3A_250 = arith.constant 1 : i32
        %dma_start3A_251 = arith.constant 0 : i32
        %dma_start3A_252 = tpu.memref_slice %arg11[%dma_start3A_250, %dma_start3A_251] : memref<6x80xi32, #tpu.memory_space<vmem>> -> memref<1x80xi32, #tpu.memory_space<vmem>>
        %dma_start3A_253 = tpu.memref_squeeze %dma_start3A_252 : memref<1x80xi32, #tpu.memory_space<vmem>> -> memref<80xi32, #tpu.memory_space<vmem>>
        %dma_start3A_254 = arith.constant 0 : i32
        %dma_start3A_255 = arith.constant 0 : i32
        %dma_start3A_256 = tpu.memref_slice %arg9[%dma_start3A_254, %dma_start3A_255] : memref<10240x128xf32, #tpu.memory_space<vmem_shared>> -> memref<10240x128xf32, #tpu.memory_space<vmem_shared>>
        tpu.enqueue_indirect_dma source(%arg13 : memref<80x128xf32, #tpu.memory_space<vmem>>) target(%dma_start3A_256 : memref<10240x128xf32, #tpu.memory_space<vmem_shared>>) offsets(%dma_start3A_253 : memref<80xi32, #tpu.memory_space<vmem>>) semaphore(%arg20 : memref<!tpu.dma_semaphore, #tpu.memory_space<semaphore_mem>>) {add = true}
        %ge3A = arith.constant 1 : i32
        %ge3A_257 = arith.cmpi sge, %add3A_201, %ge3A : i32
        %convert_element_type3A_258 = arith.extui %ge3A_257 : i1 to i32
        %cond3A_259 = arith.constant 0 : i32
        %cond3A_260 = arith.cmpi ne, %convert_element_type3A_258, %cond3A_259 : i32
        scf.if %cond3A_260 {
          %dma_wait3A_294 = arith.constant 0 : i32
          %dma_wait3A_295 = arith.constant 0 : i32
          %dma_wait3A_296 = tpu.memref_slice %arg11[%dma_wait3A_294, %dma_wait3A_295] : memref<6x80xi32, #tpu.memory_space<vmem>> -> memref<1x80xi32, #tpu.memory_space<vmem>>
          %dma_wait3A_297 = tpu.memref_squeeze %dma_wait3A_296 : memref<1x80xi32, #tpu.memory_space<vmem>> -> memref<80xi32, #tpu.memory_space<vmem>>
          %dma_wait3A_298 = arith.constant 0 : i32
          %dma_wait3A_299 = arith.constant 0 : i32
          %dma_wait3A_300 = tpu.memref_slice %arg9[%dma_wait3A_298, %dma_wait3A_299] : memref<10240x128xf32, #tpu.memory_space<vmem_shared>> -> memref<10240x128xf32, #tpu.memory_space<vmem_shared>>
          tpu.wait_indirect_dma semaphore(%arg19 : memref<!tpu.dma_semaphore, #tpu.memory_space<semaphore_mem>>) src(%arg12 : memref<80x128xf32, #tpu.memory_space<vmem>>) dst(%dma_wait3A_300 : memref<10240x128xf32, #tpu.memory_space<vmem_shared>>)
        } else {
        }
        %add3A_261 = arith.constant 5 : i32
        %add3A_262 = arith.addi %add3A_201, %add3A_261 : i32
        %lt3A_263 = arith.constant 125 : i32
        %lt3A_264 = arith.cmpi slt, %add3A_262, %lt3A_263 : i32
        %convert_element_type3A_265 = arith.extui %lt3A_264 : i1 to i32
        %cond3A_266 = arith.constant 0 : i32
        %cond3A_267 = arith.cmpi ne, %convert_element_type3A_265, %cond3A_266 : i32
        scf.if %cond3A_267 {
          %add3A_294 = arith.constant 5 : i32
          %add3A_295 = arith.addi %add3A_201, %add3A_294 : i32
          %mul3A_296 = arith.constant 80 : i32
          %mul3A_297 = arith.muli %add3A_295, %mul3A_296 : i32
          %add3A_298 = arith.addi %mul3A_2, %mul3A_297 : i32
          %dma_start3A_299 = arith.constant 0 : i32
          %dma_start3A_300 = arith.constant 0 : i32
          %dma_start3A_301 = tpu.memref_slice %arg10[%dma_start3A_299, %dma_start3A_300] : memref<6x80xi32, #tpu.memory_space<vmem>> -> memref<1x80xi32, #tpu.memory_space<vmem>>
          %dma_start3A_302 = tpu.memref_squeeze %dma_start3A_301 : memref<1x80xi32, #tpu.memory_space<vmem>> -> memref<80xi32, #tpu.memory_space<vmem>>
          %dma_start3A_303 = tpu.memref_slice %arg3[%add3A_298] : memref<320000xi32, #tpu.memory_space<hbm>> -> memref<80xi32, #tpu.memory_space<hbm>>
          %dma_start3A_304 = arith.constant 0 : i32
          %dma_start3A_305 = tpu.memref_slice %arg10[%dma_start3A_299, %dma_start3A_304] : memref<6x80xi32, #tpu.memory_space<vmem>> -> memref<1x80xi32, #tpu.memory_space<vmem>>
          %dma_start3A_306 = tpu.memref_squeeze %dma_start3A_305 : memref<1x80xi32, #tpu.memory_space<vmem>> -> memref<80xi32, #tpu.memory_space<vmem>>
          %dma_start3A_307 = tpu.memref_slice %arg3[%add3A_298] : memref<320000xi32, #tpu.memory_space<hbm>> -> memref<80xi32, #tpu.memory_space<hbm>>
          tpu.enqueue_dma source(%dma_start3A_307 : memref<80xi32, #tpu.memory_space<hbm>>) target(%dma_start3A_306 : memref<80xi32, #tpu.memory_space<vmem>>) target_semaphore(%arg22 : memref<!tpu.dma_semaphore, #tpu.memory_space<semaphore_mem>>)
          %dma_start3A_308 = arith.constant 0 : i32
          %dma_start3A_309 = arith.constant 0 : i32
          %dma_start3A_310 = tpu.memref_slice %arg11[%dma_start3A_308, %dma_start3A_309] : memref<6x80xi32, #tpu.memory_space<vmem>> -> memref<1x80xi32, #tpu.memory_space<vmem>>
          %dma_start3A_311 = tpu.memref_squeeze %dma_start3A_310 : memref<1x80xi32, #tpu.memory_space<vmem>> -> memref<80xi32, #tpu.memory_space<vmem>>
          %dma_start3A_312 = tpu.memref_slice %arg4[%add3A_298] : memref<320000xi32, #tpu.memory_space<hbm>> -> memref<80xi32, #tpu.memory_space<hbm>>
          %dma_start3A_313 = arith.constant 0 : i32
          %dma_start3A_314 = tpu.memref_slice %arg11[%dma_start3A_308, %dma_start3A_313] : memref<6x80xi32, #tpu.memory_space<vmem>> -> memref<1x80xi32, #tpu.memory_space<vmem>>
          %dma_start3A_315 = tpu.memref_squeeze %dma_start3A_314 : memref<1x80xi32, #tpu.memory_space<vmem>> -> memref<80xi32, #tpu.memory_space<vmem>>
          %dma_start3A_316 = tpu.memref_slice %arg4[%add3A_298] : memref<320000xi32, #tpu.memory_space<hbm>> -> memref<80xi32, #tpu.memory_space<hbm>>
          tpu.enqueue_dma source(%dma_start3A_316 : memref<80xi32, #tpu.memory_space<hbm>>) target(%dma_start3A_315 : memref<80xi32, #tpu.memory_space<vmem>>) target_semaphore(%arg22 : memref<!tpu.dma_semaphore, #tpu.memory_space<semaphore_mem>>)
        } else {
        }
        %add3A_268 = arith.constant 2 : i32
        %add3A_269 = arith.addi %add3A_201, %add3A_268 : i32
        %lt3A_270 = arith.constant 125 : i32
        %lt3A_271 = arith.cmpi slt, %add3A_269, %lt3A_270 : i32
        %convert_element_type3A_272 = arith.extui %lt3A_271 : i1 to i32
        %cond3A_273 = arith.constant 0 : i32
        %cond3A_274 = arith.cmpi ne, %convert_element_type3A_272, %cond3A_273 : i32
        scf.if %cond3A_274 {
          %add3A_294 = arith.constant 2 : i32
          %add3A_295 = arith.addi %add3A_201, %add3A_294 : i32
          %mul3A_296 = arith.constant 80 : i32
          %mul3A_297 = arith.muli %add3A_295, %mul3A_296 : i32
          %add3A_298 = arith.addi %mul3A_2, %mul3A_297 : i32
          %dma_wait3A_299 = arith.constant 3 : i32
          %dma_wait3A_300 = arith.constant 0 : i32
          %dma_wait3A_301 = tpu.memref_slice %arg10[%dma_wait3A_299, %dma_wait3A_300] : memref<6x80xi32, #tpu.memory_space<vmem>> -> memref<1x80xi32, #tpu.memory_space<vmem>>
          %dma_wait3A_302 = tpu.memref_squeeze %dma_wait3A_301 : memref<1x80xi32, #tpu.memory_space<vmem>> -> memref<80xi32, #tpu.memory_space<vmem>>
          %dma_wait3A_303 = tpu.memref_slice %arg3[%add3A_298] : memref<320000xi32, #tpu.memory_space<hbm>> -> memref<80xi32, #tpu.memory_space<hbm>>
          %dma_wait3A_304 = arith.constant 0 : i32
          %dma_wait3A_305 = tpu.memref_slice %arg10[%dma_wait3A_299, %dma_wait3A_304] : memref<6x80xi32, #tpu.memory_space<vmem>> -> memref<1x80xi32, #tpu.memory_space<vmem>>
          %dma_wait3A_306 = tpu.memref_squeeze %dma_wait3A_305 : memref<1x80xi32, #tpu.memory_space<vmem>> -> memref<80xi32, #tpu.memory_space<vmem>>
          %dma_wait3A_307 = tpu.memref_slice %arg3[%add3A_298] : memref<320000xi32, #tpu.memory_space<hbm>> -> memref<80xi32, #tpu.memory_space<hbm>>
          tpu.wait_dma2 semaphore(%arg25 : memref<!tpu.dma_semaphore, #tpu.memory_space<semaphore_mem>>) src(%dma_wait3A_307 : memref<80xi32, #tpu.memory_space<hbm>>) dst(%dma_wait3A_306 : memref<80xi32, #tpu.memory_space<vmem>>)
          %dma_wait3A_308 = arith.constant 3 : i32
          %dma_wait3A_309 = arith.constant 0 : i32
          %dma_wait3A_310 = tpu.memref_slice %arg11[%dma_wait3A_308, %dma_wait3A_309] : memref<6x80xi32, #tpu.memory_space<vmem>> -> memref<1x80xi32, #tpu.memory_space<vmem>>
          %dma_wait3A_311 = tpu.memref_squeeze %dma_wait3A_310 : memref<1x80xi32, #tpu.memory_space<vmem>> -> memref<80xi32, #tpu.memory_space<vmem>>
          %dma_wait3A_312 = tpu.memref_slice %arg4[%add3A_298] : memref<320000xi32, #tpu.memory_space<hbm>> -> memref<80xi32, #tpu.memory_space<hbm>>
          %dma_wait3A_313 = arith.constant 0 : i32
          %dma_wait3A_314 = tpu.memref_slice %arg11[%dma_wait3A_308, %dma_wait3A_313] : memref<6x80xi32, #tpu.memory_space<vmem>> -> memref<1x80xi32, #tpu.memory_space<vmem>>
          %dma_wait3A_315 = tpu.memref_squeeze %dma_wait3A_314 : memref<1x80xi32, #tpu.memory_space<vmem>> -> memref<80xi32, #tpu.memory_space<vmem>>
          %dma_wait3A_316 = tpu.memref_slice %arg4[%add3A_298] : memref<320000xi32, #tpu.memory_space<hbm>> -> memref<80xi32, #tpu.memory_space<hbm>>
          tpu.wait_dma2 semaphore(%arg25 : memref<!tpu.dma_semaphore, #tpu.memory_space<semaphore_mem>>) src(%dma_wait3A_316 : memref<80xi32, #tpu.memory_space<hbm>>) dst(%dma_wait3A_315 : memref<80xi32, #tpu.memory_space<vmem>>)
          %dma_start3A_317 = arith.constant 3 : i32
          %dma_start3A_318 = arith.constant 0 : i32
          %dma_start3A_319 = tpu.memref_slice %arg10[%dma_start3A_317, %dma_start3A_318] : memref<6x80xi32, #tpu.memory_space<vmem>> -> memref<1x80xi32, #tpu.memory_space<vmem>>
          %dma_start3A_320 = tpu.memref_squeeze %dma_start3A_319 : memref<1x80xi32, #tpu.memory_space<vmem>> -> memref<80xi32, #tpu.memory_space<vmem>>
          %dma_start3A_321 = arith.constant 0 : i32
          %dma_start3A_322 = arith.constant 0 : i32
          %dma_start3A_323 = tpu.memref_slice %arg2[%dma_start3A_321, %dma_start3A_322] : memref<10000x128xf32, #tpu.memory_space<hbm>> -> memref<10000x128xf32, #tpu.memory_space<hbm>>
          tpu.enqueue_indirect_dma source(%dma_start3A_323 : memref<10000x128xf32, #tpu.memory_space<hbm>>) target(%arg12 : memref<80x128xf32, #tpu.memory_space<vmem>>) offsets(%dma_start3A_320 : memref<80xi32, #tpu.memory_space<vmem>>) semaphore(%arg16 : memref<!tpu.dma_semaphore, #tpu.memory_space<semaphore_mem>>)
        } else {
        }
        %get3A = arith.constant 1 : i32
        %get3A_275 = arith.index_cast %get3A : i32 to index
        %get3A_276 = arith.constant 0 : index
        %get3A_277 = tpu.vector_load %arg11[%get3A_275, %get3A_276] {strides = array<i32>} : memref<6x80xi32, #tpu.memory_space<vmem>>, vector<16xi32>,
        tpu.vector_store_idx %arg15[%get3A_277], %broadcast_in_dim3A_3 {add = true} : memref<10240xf32, #tpu.memory_space<vmem>>[vector<16xi32>], vector<16xf32>,
        %get3A_278 = arith.constant 1 : i32
        %get3A_279 = arith.index_cast %get3A_278 : i32 to index
        %get3A_280 = arith.constant 16 : index
        %get3A_281 = tpu.vector_load %arg11[%get3A_279, %get3A_280] {strides = array<i32>} : memref<6x80xi32, #tpu.memory_space<vmem>>, vector<16xi32>,
        tpu.vector_store_idx %arg15[%get3A_281], %broadcast_in_dim3A_3 {add = true} : memref<10240xf32, #tpu.memory_space<vmem>>[vector<16xi32>], vector<16xf32>,
        %get3A_282 = arith.constant 1 : i32
        %get3A_283 = arith.index_cast %get3A_282 : i32 to index
        %get3A_284 = arith.constant 32 : index
        %get3A_285 = tpu.vector_load %arg11[%get3A_283, %get3A_284] {strides = array<i32>} : memref<6x80xi32, #tpu.memory_space<vmem>>, vector<16xi32>,
        tpu.vector_store_idx %arg15[%get3A_285], %broadcast_in_dim3A_3 {add = true} : memref<10240xf32, #tpu.memory_space<vmem>>[vector<16xi32>], vector<16xf32>,
        %get3A_286 = arith.constant 1 : i32
        %get3A_287 = arith.index_cast %get3A_286 : i32 to index
        %get3A_288 = arith.constant 48 : index
        %get3A_289 = tpu.vector_load %arg11[%get3A_287, %get3A_288] {strides = array<i32>} : memref<6x80xi32, #tpu.memory_space<vmem>>, vector<16xi32>,
        tpu.vector_store_idx %arg15[%get3A_289], %broadcast_in_dim3A_3 {add = true} : memref<10240xf32, #tpu.memory_space<vmem>>[vector<16xi32>], vector<16xf32>,
        %get3A_290 = arith.constant 1 : i32
        %get3A_291 = arith.index_cast %get3A_290 : i32 to index
        %get3A_292 = arith.constant 64 : index
        %get3A_293 = tpu.vector_load %arg11[%get3A_291, %get3A_292] {strides = array<i32>} : memref<6x80xi32, #tpu.memory_space<vmem>>, vector<16xi32>,
        tpu.vector_store_idx %arg15[%get3A_293], %broadcast_in_dim3A_3 {add = true} : memref<10240xf32, #tpu.memory_space<vmem>>[vector<16xi32>], vector<16xf32>,
      } else {
      }
      %mul3A_207 = arith.constant 6 : i32
      %mul3A_208 = arith.muli %scan3A_191, %mul3A_207 : i32
      %add3A_209 = arith.constant 2 : i32
      %add3A_210 = arith.addi %mul3A_208, %add3A_209 : i32
      %lt3A_211 = arith.constant 125 : i32
      %lt3A_212 = arith.cmpi slt, %add3A_210, %lt3A_211 : i32
      %convert_element_type3A_213 = arith.extui %lt3A_212 : i1 to i32
      %cond3A_214 = arith.constant 0 : i32
      %cond3A_215 = arith.cmpi ne, %convert_element_type3A_213, %cond3A_214 : i32
      scf.if %cond3A_215 {
        %dma_wait3A_243 = arith.constant 2 : i32
        %dma_wait3A_244 = arith.constant 0 : i32
        %dma_wait3A_245 = tpu.memref_slice %arg10[%dma_wait3A_243, %dma_wait3A_244] : memref<6x80xi32, #tpu.memory_space<vmem>> -> memref<1x80xi32, #tpu.memory_space<vmem>>
        %dma_wait3A_246 = tpu.memref_squeeze %dma_wait3A_245 : memref<1x80xi32, #tpu.memory_space<vmem>> -> memref<80xi32, #tpu.memory_space<vmem>>
        %dma_wait3A_247 = arith.constant 0 : i32
        %dma_wait3A_248 = arith.constant 0 : i32
        %dma_wait3A_249 = tpu.memref_slice %arg2[%dma_wait3A_247, %dma_wait3A_248] : memref<10000x128xf32, #tpu.memory_space<hbm>> -> memref<10000x128xf32, #tpu.memory_space<hbm>>
        tpu.wait_indirect_dma semaphore(%arg18 : memref<!tpu.dma_semaphore, #tpu.memory_space<semaphore_mem>>) src(%dma_wait3A_249 : memref<10000x128xf32, #tpu.memory_space<hbm>>) dst(%arg14 : memref<80x128xf32, #tpu.memory_space<vmem>>)
        %dma_start3A_250 = arith.constant 2 : i32
        %dma_start3A_251 = arith.constant 0 : i32
        %dma_start3A_252 = tpu.memref_slice %arg11[%dma_start3A_250, %dma_start3A_251] : memref<6x80xi32, #tpu.memory_space<vmem>> -> memref<1x80xi32, #tpu.memory_space<vmem>>
        %dma_start3A_253 = tpu.memref_squeeze %dma_start3A_252 : memref<1x80xi32, #tpu.memory_space<vmem>> -> memref<80xi32, #tpu.memory_space<vmem>>
        %dma_start3A_254 = arith.constant 0 : i32
        %dma_start3A_255 = arith.constant 0 : i32
        %dma_start3A_256 = tpu.memref_slice %arg9[%dma_start3A_254, %dma_start3A_255] : memref<10240x128xf32, #tpu.memory_space<vmem_shared>> -> memref<10240x128xf32, #tpu.memory_space<vmem_shared>>
        tpu.enqueue_indirect_dma source(%arg14 : memref<80x128xf32, #tpu.memory_space<vmem>>) target(%dma_start3A_256 : memref<10240x128xf32, #tpu.memory_space<vmem_shared>>) offsets(%dma_start3A_253 : memref<80xi32, #tpu.memory_space<vmem>>) semaphore(%arg21 : memref<!tpu.dma_semaphore, #tpu.memory_space<semaphore_mem>>) {add = true}
        %ge3A = arith.constant 1 : i32
        %ge3A_257 = arith.cmpi sge, %add3A_210, %ge3A : i32
        %convert_element_type3A_258 = arith.extui %ge3A_257 : i1 to i32
        %cond3A_259 = arith.constant 0 : i32
        %cond3A_260 = arith.cmpi ne, %convert_element_type3A_258, %cond3A_259 : i32
        scf.if %cond3A_260 {
          %dma_wait3A_294 = arith.constant 1 : i32
          %dma_wait3A_295 = arith.constant 0 : i32
          %dma_wait3A_296 = tpu.memref_slice %arg11[%dma_wait3A_294, %dma_wait3A_295] : memref<6x80xi32, #tpu.memory_space<vmem>> -> memref<1x80xi32, #tpu.memory_space<vmem>>
          %dma_wait3A_297 = tpu.memref_squeeze %dma_wait3A_296 : memref<1x80xi32, #tpu.memory_space<vmem>> -> memref<80xi32, #tpu.memory_space<vmem>>
          %dma_wait3A_298 = arith.constant 0 : i32
          %dma_wait3A_299 = arith.constant 0 : i32
          %dma_wait3A_300 = tpu.memref_slice %arg9[%dma_wait3A_298, %dma_wait3A_299] : memref<10240x128xf32, #tpu.memory_space<vmem_shared>> -> memref<10240x128xf32, #tpu.memory_space<vmem_shared>>
          tpu.wait_indirect_dma semaphore(%arg20 : memref<!tpu.dma_semaphore, #tpu.memory_space<semaphore_mem>>) src(%arg13 : memref<80x128xf32, #tpu.memory_space<vmem>>) dst(%dma_wait3A_300 : memref<10240x128xf32, #tpu.memory_space<vmem_shared>>)
        } else {
        }
        %add3A_261 = arith.constant 5 : i32
        %add3A_262 = arith.addi %add3A_210, %add3A_261 : i32
        %lt3A_263 = arith.constant 125 : i32
        %lt3A_264 = arith.cmpi slt, %add3A_262, %lt3A_263 : i32
        %convert_element_type3A_265 = arith.extui %lt3A_264 : i1 to i32
        %cond3A_266 = arith.constant 0 : i32
        %cond3A_267 = arith.cmpi ne, %convert_element_type3A_265, %cond3A_266 : i32
        scf.if %cond3A_267 {
          %add3A_294 = arith.constant 5 : i32
          %add3A_295 = arith.addi %add3A_210, %add3A_294 : i32
          %mul3A_296 = arith.constant 80 : i32
          %mul3A_297 = arith.muli %add3A_295, %mul3A_296 : i32
          %add3A_298 = arith.addi %mul3A_2, %mul3A_297 : i32
          %dma_start3A_299 = arith.constant 1 : i32
          %dma_start3A_300 = arith.constant 0 : i32
          %dma_start3A_301 = tpu.memref_slice %arg10[%dma_start3A_299, %dma_start3A_300] : memref<6x80xi32, #tpu.memory_space<vmem>> -> memref<1x80xi32, #tpu.memory_space<vmem>>
          %dma_start3A_302 = tpu.memref_squeeze %dma_start3A_301 : memref<1x80xi32, #tpu.memory_space<vmem>> -> memref<80xi32, #tpu.memory_space<vmem>>
          %dma_start3A_303 = tpu.memref_slice %arg3[%add3A_298] : memref<320000xi32, #tpu.memory_space<hbm>> -> memref<80xi32, #tpu.memory_space<hbm>>
          %dma_start3A_304 = arith.constant 0 : i32
          %dma_start3A_305 = tpu.memref_slice %arg10[%dma_start3A_299, %dma_start3A_304] : memref<6x80xi32, #tpu.memory_space<vmem>> -> memref<1x80xi32, #tpu.memory_space<vmem>>
          %dma_start3A_306 = tpu.memref_squeeze %dma_start3A_305 : memref<1x80xi32, #tpu.memory_space<vmem>> -> memref<80xi32, #tpu.memory_space<vmem>>
          %dma_start3A_307 = tpu.memref_slice %arg3[%add3A_298] : memref<320000xi32, #tpu.memory_space<hbm>> -> memref<80xi32, #tpu.memory_space<hbm>>
          tpu.enqueue_dma source(%dma_start3A_307 : memref<80xi32, #tpu.memory_space<hbm>>) target(%dma_start3A_306 : memref<80xi32, #tpu.memory_space<vmem>>) target_semaphore(%arg23 : memref<!tpu.dma_semaphore, #tpu.memory_space<semaphore_mem>>)
          %dma_start3A_308 = arith.constant 1 : i32
          %dma_start3A_309 = arith.constant 0 : i32
          %dma_start3A_310 = tpu.memref_slice %arg11[%dma_start3A_308, %dma_start3A_309] : memref<6x80xi32, #tpu.memory_space<vmem>> -> memref<1x80xi32, #tpu.memory_space<vmem>>
          %dma_start3A_311 = tpu.memref_squeeze %dma_start3A_310 : memref<1x80xi32, #tpu.memory_space<vmem>> -> memref<80xi32, #tpu.memory_space<vmem>>
          %dma_start3A_312 = tpu.memref_slice %arg4[%add3A_298] : memref<320000xi32, #tpu.memory_space<hbm>> -> memref<80xi32, #tpu.memory_space<hbm>>
          %dma_start3A_313 = arith.constant 0 : i32
          %dma_start3A_314 = tpu.memref_slice %arg11[%dma_start3A_308, %dma_start3A_313] : memref<6x80xi32, #tpu.memory_space<vmem>> -> memref<1x80xi32, #tpu.memory_space<vmem>>
          %dma_start3A_315 = tpu.memref_squeeze %dma_start3A_314 : memref<1x80xi32, #tpu.memory_space<vmem>> -> memref<80xi32, #tpu.memory_space<vmem>>
          %dma_start3A_316 = tpu.memref_slice %arg4[%add3A_298] : memref<320000xi32, #tpu.memory_space<hbm>> -> memref<80xi32, #tpu.memory_space<hbm>>
          tpu.enqueue_dma source(%dma_start3A_316 : memref<80xi32, #tpu.memory_space<hbm>>) target(%dma_start3A_315 : memref<80xi32, #tpu.memory_space<vmem>>) target_semaphore(%arg23 : memref<!tpu.dma_semaphore, #tpu.memory_space<semaphore_mem>>)
        } else {
        }
        %add3A_268 = arith.constant 2 : i32
        %add3A_269 = arith.addi %add3A_210, %add3A_268 : i32
        %lt3A_270 = arith.constant 125 : i32
        %lt3A_271 = arith.cmpi slt, %add3A_269, %lt3A_270 : i32
        %convert_element_type3A_272 = arith.extui %lt3A_271 : i1 to i32
        %cond3A_273 = arith.constant 0 : i32
        %cond3A_274 = arith.cmpi ne, %convert_element_type3A_272, %cond3A_273 : i32
        scf.if %cond3A_274 {
          %add3A_294 = arith.constant 2 : i32
          %add3A_295 = arith.addi %add3A_210, %add3A_294 : i32
          %mul3A_296 = arith.constant 80 : i32
          %mul3A_297 = arith.muli %add3A_295, %mul3A_296 : i32
          %add3A_298 = arith.addi %mul3A_2, %mul3A_297 : i32
          %dma_wait3A_299 = arith.constant 4 : i32
          %dma_wait3A_300 = arith.constant 0 : i32
          %dma_wait3A_301 = tpu.memref_slice %arg10[%dma_wait3A_299, %dma_wait3A_300] : memref<6x80xi32, #tpu.memory_space<vmem>> -> memref<1x80xi32, #tpu.memory_space<vmem>>
          %dma_wait3A_302 = tpu.memref_squeeze %dma_wait3A_301 : memref<1x80xi32, #tpu.memory_space<vmem>> -> memref<80xi32, #tpu.memory_space<vmem>>
          %dma_wait3A_303 = tpu.memref_slice %arg3[%add3A_298] : memref<320000xi32, #tpu.memory_space<hbm>> -> memref<80xi32, #tpu.memory_space<hbm>>
          %dma_wait3A_304 = arith.constant 0 : i32
          %dma_wait3A_305 = tpu.memref_slice %arg10[%dma_wait3A_299, %dma_wait3A_304] : memref<6x80xi32, #tpu.memory_space<vmem>> -> memref<1x80xi32, #tpu.memory_space<vmem>>
          %dma_wait3A_306 = tpu.memref_squeeze %dma_wait3A_305 : memref<1x80xi32, #tpu.memory_space<vmem>> -> memref<80xi32, #tpu.memory_space<vmem>>
          %dma_wait3A_307 = tpu.memref_slice %arg3[%add3A_298] : memref<320000xi32, #tpu.memory_space<hbm>> -> memref<80xi32, #tpu.memory_space<hbm>>
          tpu.wait_dma2 semaphore(%arg26 : memref<!tpu.dma_semaphore, #tpu.memory_space<semaphore_mem>>) src(%dma_wait3A_307 : memref<80xi32, #tpu.memory_space<hbm>>) dst(%dma_wait3A_306 : memref<80xi32, #tpu.memory_space<vmem>>)
          %dma_wait3A_308 = arith.constant 4 : i32
          %dma_wait3A_309 = arith.constant 0 : i32
          %dma_wait3A_310 = tpu.memref_slice %arg11[%dma_wait3A_308, %dma_wait3A_309] : memref<6x80xi32, #tpu.memory_space<vmem>> -> memref<1x80xi32, #tpu.memory_space<vmem>>
          %dma_wait3A_311 = tpu.memref_squeeze %dma_wait3A_310 : memref<1x80xi32, #tpu.memory_space<vmem>> -> memref<80xi32, #tpu.memory_space<vmem>>
          %dma_wait3A_312 = tpu.memref_slice %arg4[%add3A_298] : memref<320000xi32, #tpu.memory_space<hbm>> -> memref<80xi32, #tpu.memory_space<hbm>>
          %dma_wait3A_313 = arith.constant 0 : i32
          %dma_wait3A_314 = tpu.memref_slice %arg11[%dma_wait3A_308, %dma_wait3A_313] : memref<6x80xi32, #tpu.memory_space<vmem>> -> memref<1x80xi32, #tpu.memory_space<vmem>>
          %dma_wait3A_315 = tpu.memref_squeeze %dma_wait3A_314 : memref<1x80xi32, #tpu.memory_space<vmem>> -> memref<80xi32, #tpu.memory_space<vmem>>
          %dma_wait3A_316 = tpu.memref_slice %arg4[%add3A_298] : memref<320000xi32, #tpu.memory_space<hbm>> -> memref<80xi32, #tpu.memory_space<hbm>>
          tpu.wait_dma2 semaphore(%arg26 : memref<!tpu.dma_semaphore, #tpu.memory_space<semaphore_mem>>) src(%dma_wait3A_316 : memref<80xi32, #tpu.memory_space<hbm>>) dst(%dma_wait3A_315 : memref<80xi32, #tpu.memory_space<vmem>>)
          %dma_start3A_317 = arith.constant 4 : i32
          %dma_start3A_318 = arith.constant 0 : i32
          %dma_start3A_319 = tpu.memref_slice %arg10[%dma_start3A_317, %dma_start3A_318] : memref<6x80xi32, #tpu.memory_space<vmem>> -> memref<1x80xi32, #tpu.memory_space<vmem>>
          %dma_start3A_320 = tpu.memref_squeeze %dma_start3A_319 : memref<1x80xi32, #tpu.memory_space<vmem>> -> memref<80xi32, #tpu.memory_space<vmem>>
          %dma_start3A_321 = arith.constant 0 : i32
          %dma_start3A_322 = arith.constant 0 : i32
          %dma_start3A_323 = tpu.memref_slice %arg2[%dma_start3A_321, %dma_start3A_322] : memref<10000x128xf32, #tpu.memory_space<hbm>> -> memref<10000x128xf32, #tpu.memory_space<hbm>>
          tpu.enqueue_indirect_dma source(%dma_start3A_323 : memref<10000x128xf32, #tpu.memory_space<hbm>>) target(%arg13 : memref<80x128xf32, #tpu.memory_space<vmem>>) offsets(%dma_start3A_320 : memref<80xi32, #tpu.memory_space<vmem>>) semaphore(%arg17 : memref<!tpu.dma_semaphore, #tpu.memory_space<semaphore_mem>>)
        } else {
        }
        %get3A = arith.constant 2 : i32
        %get3A_275 = arith.index_cast %get3A : i32 to index
        %get3A_276 = arith.constant 0 : index
        %get3A_277 = tpu.vector_load %arg11[%get3A_275, %get3A_276] {strides = array<i32>} : memref<6x80xi32, #tpu.memory_space<vmem>>, vector<16xi32>,
        tpu.vector_store_idx %arg15[%get3A_277], %broadcast_in_dim3A_3 {add = true} : memref<10240xf32, #tpu.memory_space<vmem>>[vector<16xi32>], vector<16xf32>,
        %get3A_278 = arith.constant 2 : i32
        %get3A_279 = arith.index_cast %get3A_278 : i32 to index
        %get3A_280 = arith.constant 16 : index
        %get3A_281 = tpu.vector_load %arg11[%get3A_279, %get3A_280] {strides = array<i32>} : memref<6x80xi32, #tpu.memory_space<vmem>>, vector<16xi32>,
        tpu.vector_store_idx %arg15[%get3A_281], %broadcast_in_dim3A_3 {add = true} : memref<10240xf32, #tpu.memory_space<vmem>>[vector<16xi32>], vector<16xf32>,
        %get3A_282 = arith.constant 2 : i32
        %get3A_283 = arith.index_cast %get3A_282 : i32 to index
        %get3A_284 = arith.constant 32 : index
        %get3A_285 = tpu.vector_load %arg11[%get3A_283, %get3A_284] {strides = array<i32>} : memref<6x80xi32, #tpu.memory_space<vmem>>, vector<16xi32>,
        tpu.vector_store_idx %arg15[%get3A_285], %broadcast_in_dim3A_3 {add = true} : memref<10240xf32, #tpu.memory_space<vmem>>[vector<16xi32>], vector<16xf32>,
        %get3A_286 = arith.constant 2 : i32
        %get3A_287 = arith.index_cast %get3A_286 : i32 to index
        %get3A_288 = arith.constant 48 : index
        %get3A_289 = tpu.vector_load %arg11[%get3A_287, %get3A_288] {strides = array<i32>} : memref<6x80xi32, #tpu.memory_space<vmem>>, vector<16xi32>,
        tpu.vector_store_idx %arg15[%get3A_289], %broadcast_in_dim3A_3 {add = true} : memref<10240xf32, #tpu.memory_space<vmem>>[vector<16xi32>], vector<16xf32>,
        %get3A_290 = arith.constant 2 : i32
        %get3A_291 = arith.index_cast %get3A_290 : i32 to index
        %get3A_292 = arith.constant 64 : index
        %get3A_293 = tpu.vector_load %arg11[%get3A_291, %get3A_292] {strides = array<i32>} : memref<6x80xi32, #tpu.memory_space<vmem>>, vector<16xi32>,
        tpu.vector_store_idx %arg15[%get3A_293], %broadcast_in_dim3A_3 {add = true} : memref<10240xf32, #tpu.memory_space<vmem>>[vector<16xi32>], vector<16xf32>,
      } else {
      }
      %mul3A_216 = arith.constant 6 : i32
      %mul3A_217 = arith.muli %scan3A_191, %mul3A_216 : i32
      %add3A_218 = arith.constant 3 : i32
      %add3A_219 = arith.addi %mul3A_217, %add3A_218 : i32
      %lt3A_220 = arith.constant 125 : i32
      %lt3A_221 = arith.cmpi slt, %add3A_219, %lt3A_220 : i32
      %convert_element_type3A_222 = arith.extui %lt3A_221 : i1 to i32
      %cond3A_223 = arith.constant 0 : i32
      %cond3A_224 = arith.cmpi ne, %convert_element_type3A_222, %cond3A_223 : i32
      scf.if %cond3A_224 {
        %dma_wait3A_243 = arith.constant 3 : i32
        %dma_wait3A_244 = arith.constant 0 : i32
        %dma_wait3A_245 = tpu.memref_slice %arg10[%dma_wait3A_243, %dma_wait3A_244] : memref<6x80xi32, #tpu.memory_space<vmem>> -> memref<1x80xi32, #tpu.memory_space<vmem>>
        %dma_wait3A_246 = tpu.memref_squeeze %dma_wait3A_245 : memref<1x80xi32, #tpu.memory_space<vmem>> -> memref<80xi32, #tpu.memory_space<vmem>>
        %dma_wait3A_247 = arith.constant 0 : i32
        %dma_wait3A_248 = arith.constant 0 : i32
        %dma_wait3A_249 = tpu.memref_slice %arg2[%dma_wait3A_247, %dma_wait3A_248] : memref<10000x128xf32, #tpu.memory_space<hbm>> -> memref<10000x128xf32, #tpu.memory_space<hbm>>
        tpu.wait_indirect_dma semaphore(%arg16 : memref<!tpu.dma_semaphore, #tpu.memory_space<semaphore_mem>>) src(%dma_wait3A_249 : memref<10000x128xf32, #tpu.memory_space<hbm>>) dst(%arg12 : memref<80x128xf32, #tpu.memory_space<vmem>>)
        %dma_start3A_250 = arith.constant 3 : i32
        %dma_start3A_251 = arith.constant 0 : i32
        %dma_start3A_252 = tpu.memref_slice %arg11[%dma_start3A_250, %dma_start3A_251] : memref<6x80xi32, #tpu.memory_space<vmem>> -> memref<1x80xi32, #tpu.memory_space<vmem>>
        %dma_start3A_253 = tpu.memref_squeeze %dma_start3A_252 : memref<1x80xi32, #tpu.memory_space<vmem>> -> memref<80xi32, #tpu.memory_space<vmem>>
        %dma_start3A_254 = arith.constant 0 : i32
        %dma_start3A_255 = arith.constant 0 : i32
        %dma_start3A_256 = tpu.memref_slice %arg9[%dma_start3A_254, %dma_start3A_255] : memref<10240x128xf32, #tpu.memory_space<vmem_shared>> -> memref<10240x128xf32, #tpu.memory_space<vmem_shared>>
        tpu.enqueue_indirect_dma source(%arg12 : memref<80x128xf32, #tpu.memory_space<vmem>>) target(%dma_start3A_256 : memref<10240x128xf32, #tpu.memory_space<vmem_shared>>) offsets(%dma_start3A_253 : memref<80xi32, #tpu.memory_space<vmem>>) semaphore(%arg19 : memref<!tpu.dma_semaphore, #tpu.memory_space<semaphore_mem>>) {add = true}
        %ge3A = arith.constant 1 : i32
        %ge3A_257 = arith.cmpi sge, %add3A_219, %ge3A : i32
        %convert_element_type3A_258 = arith.extui %ge3A_257 : i1 to i32
        %cond3A_259 = arith.constant 0 : i32
        %cond3A_260 = arith.cmpi ne, %convert_element_type3A_258, %cond3A_259 : i32
        scf.if %cond3A_260 {
          %dma_wait3A_294 = arith.constant 2 : i32
          %dma_wait3A_295 = arith.constant 0 : i32
          %dma_wait3A_296 = tpu.memref_slice %arg11[%dma_wait3A_294, %dma_wait3A_295] : memref<6x80xi32, #tpu.memory_space<vmem>> -> memref<1x80xi32, #tpu.memory_space<vmem>>
          %dma_wait3A_297 = tpu.memref_squeeze %dma_wait3A_296 : memref<1x80xi32, #tpu.memory_space<vmem>> -> memref<80xi32, #tpu.memory_space<vmem>>
          %dma_wait3A_298 = arith.constant 0 : i32
          %dma_wait3A_299 = arith.constant 0 : i32
          %dma_wait3A_300 = tpu.memref_slice %arg9[%dma_wait3A_298, %dma_wait3A_299] : memref<10240x128xf32, #tpu.memory_space<vmem_shared>> -> memref<10240x128xf32, #tpu.memory_space<vmem_shared>>
          tpu.wait_indirect_dma semaphore(%arg21 : memref<!tpu.dma_semaphore, #tpu.memory_space<semaphore_mem>>) src(%arg14 : memref<80x128xf32, #tpu.memory_space<vmem>>) dst(%dma_wait3A_300 : memref<10240x128xf32, #tpu.memory_space<vmem_shared>>)
        } else {
        }
        %add3A_261 = arith.constant 5 : i32
        %add3A_262 = arith.addi %add3A_219, %add3A_261 : i32
        %lt3A_263 = arith.constant 125 : i32
        %lt3A_264 = arith.cmpi slt, %add3A_262, %lt3A_263 : i32
        %convert_element_type3A_265 = arith.extui %lt3A_264 : i1 to i32
        %cond3A_266 = arith.constant 0 : i32
        %cond3A_267 = arith.cmpi ne, %convert_element_type3A_265, %cond3A_266 : i32
        scf.if %cond3A_267 {
          %add3A_294 = arith.constant 5 : i32
          %add3A_295 = arith.addi %add3A_219, %add3A_294 : i32
          %mul3A_296 = arith.constant 80 : i32
          %mul3A_297 = arith.muli %add3A_295, %mul3A_296 : i32
          %add3A_298 = arith.addi %mul3A_2, %mul3A_297 : i32
          %dma_start3A_299 = arith.constant 2 : i32
          %dma_start3A_300 = arith.constant 0 : i32
          %dma_start3A_301 = tpu.memref_slice %arg10[%dma_start3A_299, %dma_start3A_300] : memref<6x80xi32, #tpu.memory_space<vmem>> -> memref<1x80xi32, #tpu.memory_space<vmem>>
          %dma_start3A_302 = tpu.memref_squeeze %dma_start3A_301 : memref<1x80xi32, #tpu.memory_space<vmem>> -> memref<80xi32, #tpu.memory_space<vmem>>
          %dma_start3A_303 = tpu.memref_slice %arg3[%add3A_298] : memref<320000xi32, #tpu.memory_space<hbm>> -> memref<80xi32, #tpu.memory_space<hbm>>
          %dma_start3A_304 = arith.constant 0 : i32
          %dma_start3A_305 = tpu.memref_slice %arg10[%dma_start3A_299, %dma_start3A_304] : memref<6x80xi32, #tpu.memory_space<vmem>> -> memref<1x80xi32, #tpu.memory_space<vmem>>
          %dma_start3A_306 = tpu.memref_squeeze %dma_start3A_305 : memref<1x80xi32, #tpu.memory_space<vmem>> -> memref<80xi32, #tpu.memory_space<vmem>>
          %dma_start3A_307 = tpu.memref_slice %arg3[%add3A_298] : memref<320000xi32, #tpu.memory_space<hbm>> -> memref<80xi32, #tpu.memory_space<hbm>>
          tpu.enqueue_dma source(%dma_start3A_307 : memref<80xi32, #tpu.memory_space<hbm>>) target(%dma_start3A_306 : memref<80xi32, #tpu.memory_space<vmem>>) target_semaphore(%arg24 : memref<!tpu.dma_semaphore, #tpu.memory_space<semaphore_mem>>)
          %dma_start3A_308 = arith.constant 2 : i32
          %dma_start3A_309 = arith.constant 0 : i32
          %dma_start3A_310 = tpu.memref_slice %arg11[%dma_start3A_308, %dma_start3A_309] : memref<6x80xi32, #tpu.memory_space<vmem>> -> memref<1x80xi32, #tpu.memory_space<vmem>>
          %dma_start3A_311 = tpu.memref_squeeze %dma_start3A_310 : memref<1x80xi32, #tpu.memory_space<vmem>> -> memref<80xi32, #tpu.memory_space<vmem>>
          %dma_start3A_312 = tpu.memref_slice %arg4[%add3A_298] : memref<320000xi32, #tpu.memory_space<hbm>> -> memref<80xi32, #tpu.memory_space<hbm>>
          %dma_start3A_313 = arith.constant 0 : i32
          %dma_start3A_314 = tpu.memref_slice %arg11[%dma_start3A_308, %dma_start3A_313] : memref<6x80xi32, #tpu.memory_space<vmem>> -> memref<1x80xi32, #tpu.memory_space<vmem>>
          %dma_start3A_315 = tpu.memref_squeeze %dma_start3A_314 : memref<1x80xi32, #tpu.memory_space<vmem>> -> memref<80xi32, #tpu.memory_space<vmem>>
          %dma_start3A_316 = tpu.memref_slice %arg4[%add3A_298] : memref<320000xi32, #tpu.memory_space<hbm>> -> memref<80xi32, #tpu.memory_space<hbm>>
          tpu.enqueue_dma source(%dma_start3A_316 : memref<80xi32, #tpu.memory_space<hbm>>) target(%dma_start3A_315 : memref<80xi32, #tpu.memory_space<vmem>>) target_semaphore(%arg24 : memref<!tpu.dma_semaphore, #tpu.memory_space<semaphore_mem>>)
        } else {
        }
        %add3A_268 = arith.constant 2 : i32
        %add3A_269 = arith.addi %add3A_219, %add3A_268 : i32
        %lt3A_270 = arith.constant 125 : i32
        %lt3A_271 = arith.cmpi slt, %add3A_269, %lt3A_270 : i32
        %convert_element_type3A_272 = arith.extui %lt3A_271 : i1 to i32
        %cond3A_273 = arith.constant 0 : i32
        %cond3A_274 = arith.cmpi ne, %convert_element_type3A_272, %cond3A_273 : i32
        scf.if %cond3A_274 {
          %add3A_294 = arith.constant 2 : i32
          %add3A_295 = arith.addi %add3A_219, %add3A_294 : i32
          %mul3A_296 = arith.constant 80 : i32
          %mul3A_297 = arith.muli %add3A_295, %mul3A_296 : i32
          %add3A_298 = arith.addi %mul3A_2, %mul3A_297 : i32
          %dma_wait3A_299 = arith.constant 5 : i32
          %dma_wait3A_300 = arith.constant 0 : i32
          %dma_wait3A_301 = tpu.memref_slice %arg10[%dma_wait3A_299, %dma_wait3A_300] : memref<6x80xi32, #tpu.memory_space<vmem>> -> memref<1x80xi32, #tpu.memory_space<vmem>>
          %dma_wait3A_302 = tpu.memref_squeeze %dma_wait3A_301 : memref<1x80xi32, #tpu.memory_space<vmem>> -> memref<80xi32, #tpu.memory_space<vmem>>
          %dma_wait3A_303 = tpu.memref_slice %arg3[%add3A_298] : memref<320000xi32, #tpu.memory_space<hbm>> -> memref<80xi32, #tpu.memory_space<hbm>>
          %dma_wait3A_304 = arith.constant 0 : i32
          %dma_wait3A_305 = tpu.memref_slice %arg10[%dma_wait3A_299, %dma_wait3A_304] : memref<6x80xi32, #tpu.memory_space<vmem>> -> memref<1x80xi32, #tpu.memory_space<vmem>>
          %dma_wait3A_306 = tpu.memref_squeeze %dma_wait3A_305 : memref<1x80xi32, #tpu.memory_space<vmem>> -> memref<80xi32, #tpu.memory_space<vmem>>
          %dma_wait3A_307 = tpu.memref_slice %arg3[%add3A_298] : memref<320000xi32, #tpu.memory_space<hbm>> -> memref<80xi32, #tpu.memory_space<hbm>>
          tpu.wait_dma2 semaphore(%arg27 : memref<!tpu.dma_semaphore, #tpu.memory_space<semaphore_mem>>) src(%dma_wait3A_307 : memref<80xi32, #tpu.memory_space<hbm>>) dst(%dma_wait3A_306 : memref<80xi32, #tpu.memory_space<vmem>>)
          %dma_wait3A_308 = arith.constant 5 : i32
          %dma_wait3A_309 = arith.constant 0 : i32
          %dma_wait3A_310 = tpu.memref_slice %arg11[%dma_wait3A_308, %dma_wait3A_309] : memref<6x80xi32, #tpu.memory_space<vmem>> -> memref<1x80xi32, #tpu.memory_space<vmem>>
          %dma_wait3A_311 = tpu.memref_squeeze %dma_wait3A_310 : memref<1x80xi32, #tpu.memory_space<vmem>> -> memref<80xi32, #tpu.memory_space<vmem>>
          %dma_wait3A_312 = tpu.memref_slice %arg4[%add3A_298] : memref<320000xi32, #tpu.memory_space<hbm>> -> memref<80xi32, #tpu.memory_space<hbm>>
          %dma_wait3A_313 = arith.constant 0 : i32
          %dma_wait3A_314 = tpu.memref_slice %arg11[%dma_wait3A_308, %dma_wait3A_313] : memref<6x80xi32, #tpu.memory_space<vmem>> -> memref<1x80xi32, #tpu.memory_space<vmem>>
          %dma_wait3A_315 = tpu.memref_squeeze %dma_wait3A_314 : memref<1x80xi32, #tpu.memory_space<vmem>> -> memref<80xi32, #tpu.memory_space<vmem>>
          %dma_wait3A_316 = tpu.memref_slice %arg4[%add3A_298] : memref<320000xi32, #tpu.memory_space<hbm>> -> memref<80xi32, #tpu.memory_space<hbm>>
          tpu.wait_dma2 semaphore(%arg27 : memref<!tpu.dma_semaphore, #tpu.memory_space<semaphore_mem>>) src(%dma_wait3A_316 : memref<80xi32, #tpu.memory_space<hbm>>) dst(%dma_wait3A_315 : memref<80xi32, #tpu.memory_space<vmem>>)
          %dma_start3A_317 = arith.constant 5 : i32
          %dma_start3A_318 = arith.constant 0 : i32
          %dma_start3A_319 = tpu.memref_slice %arg10[%dma_start3A_317, %dma_start3A_318] : memref<6x80xi32, #tpu.memory_space<vmem>> -> memref<1x80xi32, #tpu.memory_space<vmem>>
          %dma_start3A_320 = tpu.memref_squeeze %dma_start3A_319 : memref<1x80xi32, #tpu.memory_space<vmem>> -> memref<80xi32, #tpu.memory_space<vmem>>
          %dma_start3A_321 = arith.constant 0 : i32
          %dma_start3A_322 = arith.constant 0 : i32
          %dma_start3A_323 = tpu.memref_slice %arg2[%dma_start3A_321, %dma_start3A_322] : memref<10000x128xf32, #tpu.memory_space<hbm>> -> memref<10000x128xf32, #tpu.memory_space<hbm>>
          tpu.enqueue_indirect_dma source(%dma_start3A_323 : memref<10000x128xf32, #tpu.memory_space<hbm>>) target(%arg14 : memref<80x128xf32, #tpu.memory_space<vmem>>) offsets(%dma_start3A_320 : memref<80xi32, #tpu.memory_space<vmem>>) semaphore(%arg18 : memref<!tpu.dma_semaphore, #tpu.memory_space<semaphore_mem>>)
        } else {
        }
        %get3A = arith.constant 3 : i32
        %get3A_275 = arith.index_cast %get3A : i32 to index
        %get3A_276 = arith.constant 0 : index
        %get3A_277 = tpu.vector_load %arg11[%get3A_275, %get3A_276] {strides = array<i32>} : memref<6x80xi32, #tpu.memory_space<vmem>>, vector<16xi32>,
        tpu.vector_store_idx %arg15[%get3A_277], %broadcast_in_dim3A_3 {add = true} : memref<10240xf32, #tpu.memory_space<vmem>>[vector<16xi32>], vector<16xf32>,
        %get3A_278 = arith.constant 3 : i32
        %get3A_279 = arith.index_cast %get3A_278 : i32 to index
        %get3A_280 = arith.constant 16 : index
        %get3A_281 = tpu.vector_load %arg11[%get3A_279, %get3A_280] {strides = array<i32>} : memref<6x80xi32, #tpu.memory_space<vmem>>, vector<16xi32>,
        tpu.vector_store_idx %arg15[%get3A_281], %broadcast_in_dim3A_3 {add = true} : memref<10240xf32, #tpu.memory_space<vmem>>[vector<16xi32>], vector<16xf32>,
        %get3A_282 = arith.constant 3 : i32
        %get3A_283 = arith.index_cast %get3A_282 : i32 to index
        %get3A_284 = arith.constant 32 : index
        %get3A_285 = tpu.vector_load %arg11[%get3A_283, %get3A_284] {strides = array<i32>} : memref<6x80xi32, #tpu.memory_space<vmem>>, vector<16xi32>,
        tpu.vector_store_idx %arg15[%get3A_285], %broadcast_in_dim3A_3 {add = true} : memref<10240xf32, #tpu.memory_space<vmem>>[vector<16xi32>], vector<16xf32>,
        %get3A_286 = arith.constant 3 : i32
        %get3A_287 = arith.index_cast %get3A_286 : i32 to index
        %get3A_288 = arith.constant 48 : index
        %get3A_289 = tpu.vector_load %arg11[%get3A_287, %get3A_288] {strides = array<i32>} : memref<6x80xi32, #tpu.memory_space<vmem>>, vector<16xi32>,
        tpu.vector_store_idx %arg15[%get3A_289], %broadcast_in_dim3A_3 {add = true} : memref<10240xf32, #tpu.memory_space<vmem>>[vector<16xi32>], vector<16xf32>,
        %get3A_290 = arith.constant 3 : i32
        %get3A_291 = arith.index_cast %get3A_290 : i32 to index
        %get3A_292 = arith.constant 64 : index
        %get3A_293 = tpu.vector_load %arg11[%get3A_291, %get3A_292] {strides = array<i32>} : memref<6x80xi32, #tpu.memory_space<vmem>>, vector<16xi32>,
        tpu.vector_store_idx %arg15[%get3A_293], %broadcast_in_dim3A_3 {add = true} : memref<10240xf32, #tpu.memory_space<vmem>>[vector<16xi32>], vector<16xf32>,
      } else {
      }
      %mul3A_225 = arith.constant 6 : i32
      %mul3A_226 = arith.muli %scan3A_191, %mul3A_225 : i32
      %add3A_227 = arith.constant 4 : i32
      %add3A_228 = arith.addi %mul3A_226, %add3A_227 : i32
      %lt3A_229 = arith.constant 125 : i32
      %lt3A_230 = arith.cmpi slt, %add3A_228, %lt3A_229 : i32
      %convert_element_type3A_231 = arith.extui %lt3A_230 : i1 to i32
      %cond3A_232 = arith.constant 0 : i32
      %cond3A_233 = arith.cmpi ne, %convert_element_type3A_231, %cond3A_232 : i32
      scf.if %cond3A_233 {
        %dma_wait3A_243 = arith.constant 4 : i32
        %dma_wait3A_244 = arith.constant 0 : i32
        %dma_wait3A_245 = tpu.memref_slice %arg10[%dma_wait3A_243, %dma_wait3A_244] : memref<6x80xi32, #tpu.memory_space<vmem>> -> memref<1x80xi32, #tpu.memory_space<vmem>>
        %dma_wait3A_246 = tpu.memref_squeeze %dma_wait3A_245 : memref<1x80xi32, #tpu.memory_space<vmem>> -> memref<80xi32, #tpu.memory_space<vmem>>
        %dma_wait3A_247 = arith.constant 0 : i32
        %dma_wait3A_248 = arith.constant 0 : i32
        %dma_wait3A_249 = tpu.memref_slice %arg2[%dma_wait3A_247, %dma_wait3A_248] : memref<10000x128xf32, #tpu.memory_space<hbm>> -> memref<10000x128xf32, #tpu.memory_space<hbm>>
        tpu.wait_indirect_dma semaphore(%arg17 : memref<!tpu.dma_semaphore, #tpu.memory_space<semaphore_mem>>) src(%dma_wait3A_249 : memref<10000x128xf32, #tpu.memory_space<hbm>>) dst(%arg13 : memref<80x128xf32, #tpu.memory_space<vmem>>)
        %dma_start3A_250 = arith.constant 4 : i32
        %dma_start3A_251 = arith.constant 0 : i32
        %dma_start3A_252 = tpu.memref_slice %arg11[%dma_start3A_250, %dma_start3A_251] : memref<6x80xi32, #tpu.memory_space<vmem>> -> memref<1x80xi32, #tpu.memory_space<vmem>>
        %dma_start3A_253 = tpu.memref_squeeze %dma_start3A_252 : memref<1x80xi32, #tpu.memory_space<vmem>> -> memref<80xi32, #tpu.memory_space<vmem>>
        %dma_start3A_254 = arith.constant 0 : i32
        %dma_start3A_255 = arith.constant 0 : i32
        %dma_start3A_256 = tpu.memref_slice %arg9[%dma_start3A_254, %dma_start3A_255] : memref<10240x128xf32, #tpu.memory_space<vmem_shared>> -> memref<10240x128xf32, #tpu.memory_space<vmem_shared>>
        tpu.enqueue_indirect_dma source(%arg13 : memref<80x128xf32, #tpu.memory_space<vmem>>) target(%dma_start3A_256 : memref<10240x128xf32, #tpu.memory_space<vmem_shared>>) offsets(%dma_start3A_253 : memref<80xi32, #tpu.memory_space<vmem>>) semaphore(%arg20 : memref<!tpu.dma_semaphore, #tpu.memory_space<semaphore_mem>>) {add = true}
        %ge3A = arith.constant 1 : i32
        %ge3A_257 = arith.cmpi sge, %add3A_228, %ge3A : i32
        %convert_element_type3A_258 = arith.extui %ge3A_257 : i1 to i32
        %cond3A_259 = arith.constant 0 : i32
        %cond3A_260 = arith.cmpi ne, %convert_element_type3A_258, %cond3A_259 : i32
        scf.if %cond3A_260 {
          %dma_wait3A_294 = arith.constant 3 : i32
          %dma_wait3A_295 = arith.constant 0 : i32
          %dma_wait3A_296 = tpu.memref_slice %arg11[%dma_wait3A_294, %dma_wait3A_295] : memref<6x80xi32, #tpu.memory_space<vmem>> -> memref<1x80xi32, #tpu.memory_space<vmem>>
          %dma_wait3A_297 = tpu.memref_squeeze %dma_wait3A_296 : memref<1x80xi32, #tpu.memory_space<vmem>> -> memref<80xi32, #tpu.memory_space<vmem>>
          %dma_wait3A_298 = arith.constant 0 : i32
          %dma_wait3A_299 = arith.constant 0 : i32
          %dma_wait3A_300 = tpu.memref_slice %arg9[%dma_wait3A_298, %dma_wait3A_299] : memref<10240x128xf32, #tpu.memory_space<vmem_shared>> -> memref<10240x128xf32, #tpu.memory_space<vmem_shared>>
          tpu.wait_indirect_dma semaphore(%arg19 : memref<!tpu.dma_semaphore, #tpu.memory_space<semaphore_mem>>) src(%arg12 : memref<80x128xf32, #tpu.memory_space<vmem>>) dst(%dma_wait3A_300 : memref<10240x128xf32, #tpu.memory_space<vmem_shared>>)
        } else {
        }
        %add3A_261 = arith.constant 5 : i32
        %add3A_262 = arith.addi %add3A_228, %add3A_261 : i32
        %lt3A_263 = arith.constant 125 : i32
        %lt3A_264 = arith.cmpi slt, %add3A_262, %lt3A_263 : i32
        %convert_element_type3A_265 = arith.extui %lt3A_264 : i1 to i32
        %cond3A_266 = arith.constant 0 : i32
        %cond3A_267 = arith.cmpi ne, %convert_element_type3A_265, %cond3A_266 : i32
        scf.if %cond3A_267 {
          %add3A_294 = arith.constant 5 : i32
          %add3A_295 = arith.addi %add3A_228, %add3A_294 : i32
          %mul3A_296 = arith.constant 80 : i32
          %mul3A_297 = arith.muli %add3A_295, %mul3A_296 : i32
          %add3A_298 = arith.addi %mul3A_2, %mul3A_297 : i32
          %dma_start3A_299 = arith.constant 3 : i32
          %dma_start3A_300 = arith.constant 0 : i32
          %dma_start3A_301 = tpu.memref_slice %arg10[%dma_start3A_299, %dma_start3A_300] : memref<6x80xi32, #tpu.memory_space<vmem>> -> memref<1x80xi32, #tpu.memory_space<vmem>>
          %dma_start3A_302 = tpu.memref_squeeze %dma_start3A_301 : memref<1x80xi32, #tpu.memory_space<vmem>> -> memref<80xi32, #tpu.memory_space<vmem>>
          %dma_start3A_303 = tpu.memref_slice %arg3[%add3A_298] : memref<320000xi32, #tpu.memory_space<hbm>> -> memref<80xi32, #tpu.memory_space<hbm>>
          %dma_start3A_304 = arith.constant 0 : i32
          %dma_start3A_305 = tpu.memref_slice %arg10[%dma_start3A_299, %dma_start3A_304] : memref<6x80xi32, #tpu.memory_space<vmem>> -> memref<1x80xi32, #tpu.memory_space<vmem>>
          %dma_start3A_306 = tpu.memref_squeeze %dma_start3A_305 : memref<1x80xi32, #tpu.memory_space<vmem>> -> memref<80xi32, #tpu.memory_space<vmem>>
          %dma_start3A_307 = tpu.memref_slice %arg3[%add3A_298] : memref<320000xi32, #tpu.memory_space<hbm>> -> memref<80xi32, #tpu.memory_space<hbm>>
          tpu.enqueue_dma source(%dma_start3A_307 : memref<80xi32, #tpu.memory_space<hbm>>) target(%dma_start3A_306 : memref<80xi32, #tpu.memory_space<vmem>>) target_semaphore(%arg25 : memref<!tpu.dma_semaphore, #tpu.memory_space<semaphore_mem>>)
          %dma_start3A_308 = arith.constant 3 : i32
          %dma_start3A_309 = arith.constant 0 : i32
          %dma_start3A_310 = tpu.memref_slice %arg11[%dma_start3A_308, %dma_start3A_309] : memref<6x80xi32, #tpu.memory_space<vmem>> -> memref<1x80xi32, #tpu.memory_space<vmem>>
          %dma_start3A_311 = tpu.memref_squeeze %dma_start3A_310 : memref<1x80xi32, #tpu.memory_space<vmem>> -> memref<80xi32, #tpu.memory_space<vmem>>
          %dma_start3A_312 = tpu.memref_slice %arg4[%add3A_298] : memref<320000xi32, #tpu.memory_space<hbm>> -> memref<80xi32, #tpu.memory_space<hbm>>
          %dma_start3A_313 = arith.constant 0 : i32
          %dma_start3A_314 = tpu.memref_slice %arg11[%dma_start3A_308, %dma_start3A_313] : memref<6x80xi32, #tpu.memory_space<vmem>> -> memref<1x80xi32, #tpu.memory_space<vmem>>
          %dma_start3A_315 = tpu.memref_squeeze %dma_start3A_314 : memref<1x80xi32, #tpu.memory_space<vmem>> -> memref<80xi32, #tpu.memory_space<vmem>>
          %dma_start3A_316 = tpu.memref_slice %arg4[%add3A_298] : memref<320000xi32, #tpu.memory_space<hbm>> -> memref<80xi32, #tpu.memory_space<hbm>>
          tpu.enqueue_dma source(%dma_start3A_316 : memref<80xi32, #tpu.memory_space<hbm>>) target(%dma_start3A_315 : memref<80xi32, #tpu.memory_space<vmem>>) target_semaphore(%arg25 : memref<!tpu.dma_semaphore, #tpu.memory_space<semaphore_mem>>)
        } else {
        }
        %add3A_268 = arith.constant 2 : i32
        %add3A_269 = arith.addi %add3A_228, %add3A_268 : i32
        %lt3A_270 = arith.constant 125 : i32
        %lt3A_271 = arith.cmpi slt, %add3A_269, %lt3A_270 : i32
        %convert_element_type3A_272 = arith.extui %lt3A_271 : i1 to i32
        %cond3A_273 = arith.constant 0 : i32
        %cond3A_274 = arith.cmpi ne, %convert_element_type3A_272, %cond3A_273 : i32
        scf.if %cond3A_274 {
          %add3A_294 = arith.constant 2 : i32
          %add3A_295 = arith.addi %add3A_228, %add3A_294 : i32
          %mul3A_296 = arith.constant 80 : i32
          %mul3A_297 = arith.muli %add3A_295, %mul3A_296 : i32
          %add3A_298 = arith.addi %mul3A_2, %mul3A_297 : i32
          %dma_wait3A_299 = arith.constant 0 : i32
          %dma_wait3A_300 = arith.constant 0 : i32
          %dma_wait3A_301 = tpu.memref_slice %arg10[%dma_wait3A_299, %dma_wait3A_300] : memref<6x80xi32, #tpu.memory_space<vmem>> -> memref<1x80xi32, #tpu.memory_space<vmem>>
          %dma_wait3A_302 = tpu.memref_squeeze %dma_wait3A_301 : memref<1x80xi32, #tpu.memory_space<vmem>> -> memref<80xi32, #tpu.memory_space<vmem>>
          %dma_wait3A_303 = tpu.memref_slice %arg3[%add3A_298] : memref<320000xi32, #tpu.memory_space<hbm>> -> memref<80xi32, #tpu.memory_space<hbm>>
          %dma_wait3A_304 = arith.constant 0 : i32
          %dma_wait3A_305 = tpu.memref_slice %arg10[%dma_wait3A_299, %dma_wait3A_304] : memref<6x80xi32, #tpu.memory_space<vmem>> -> memref<1x80xi32, #tpu.memory_space<vmem>>
          %dma_wait3A_306 = tpu.memref_squeeze %dma_wait3A_305 : memref<1x80xi32, #tpu.memory_space<vmem>> -> memref<80xi32, #tpu.memory_space<vmem>>
          %dma_wait3A_307 = tpu.memref_slice %arg3[%add3A_298] : memref<320000xi32, #tpu.memory_space<hbm>> -> memref<80xi32, #tpu.memory_space<hbm>>
          tpu.wait_dma2 semaphore(%arg22 : memref<!tpu.dma_semaphore, #tpu.memory_space<semaphore_mem>>) src(%dma_wait3A_307 : memref<80xi32, #tpu.memory_space<hbm>>) dst(%dma_wait3A_306 : memref<80xi32, #tpu.memory_space<vmem>>)
          %dma_wait3A_308 = arith.constant 0 : i32
          %dma_wait3A_309 = arith.constant 0 : i32
          %dma_wait3A_310 = tpu.memref_slice %arg11[%dma_wait3A_308, %dma_wait3A_309] : memref<6x80xi32, #tpu.memory_space<vmem>> -> memref<1x80xi32, #tpu.memory_space<vmem>>
          %dma_wait3A_311 = tpu.memref_squeeze %dma_wait3A_310 : memref<1x80xi32, #tpu.memory_space<vmem>> -> memref<80xi32, #tpu.memory_space<vmem>>
          %dma_wait3A_312 = tpu.memref_slice %arg4[%add3A_298] : memref<320000xi32, #tpu.memory_space<hbm>> -> memref<80xi32, #tpu.memory_space<hbm>>
          %dma_wait3A_313 = arith.constant 0 : i32
          %dma_wait3A_314 = tpu.memref_slice %arg11[%dma_wait3A_308, %dma_wait3A_313] : memref<6x80xi32, #tpu.memory_space<vmem>> -> memref<1x80xi32, #tpu.memory_space<vmem>>
          %dma_wait3A_315 = tpu.memref_squeeze %dma_wait3A_314 : memref<1x80xi32, #tpu.memory_space<vmem>> -> memref<80xi32, #tpu.memory_space<vmem>>
          %dma_wait3A_316 = tpu.memref_slice %arg4[%add3A_298] : memref<320000xi32, #tpu.memory_space<hbm>> -> memref<80xi32, #tpu.memory_space<hbm>>
          tpu.wait_dma2 semaphore(%arg22 : memref<!tpu.dma_semaphore, #tpu.memory_space<semaphore_mem>>) src(%dma_wait3A_316 : memref<80xi32, #tpu.memory_space<hbm>>) dst(%dma_wait3A_315 : memref<80xi32, #tpu.memory_space<vmem>>)
          %dma_start3A_317 = arith.constant 0 : i32
          %dma_start3A_318 = arith.constant 0 : i32
          %dma_start3A_319 = tpu.memref_slice %arg10[%dma_start3A_317, %dma_start3A_318] : memref<6x80xi32, #tpu.memory_space<vmem>> -> memref<1x80xi32, #tpu.memory_space<vmem>>
          %dma_start3A_320 = tpu.memref_squeeze %dma_start3A_319 : memref<1x80xi32, #tpu.memory_space<vmem>> -> memref<80xi32, #tpu.memory_space<vmem>>
          %dma_start3A_321 = arith.constant 0 : i32
          %dma_start3A_322 = arith.constant 0 : i32
          %dma_start3A_323 = tpu.memref_slice %arg2[%dma_start3A_321, %dma_start3A_322] : memref<10000x128xf32, #tpu.memory_space<hbm>> -> memref<10000x128xf32, #tpu.memory_space<hbm>>
          tpu.enqueue_indirect_dma source(%dma_start3A_323 : memref<10000x128xf32, #tpu.memory_space<hbm>>) target(%arg12 : memref<80x128xf32, #tpu.memory_space<vmem>>) offsets(%dma_start3A_320 : memref<80xi32, #tpu.memory_space<vmem>>) semaphore(%arg16 : memref<!tpu.dma_semaphore, #tpu.memory_space<semaphore_mem>>)
        } else {
        }
        %get3A = arith.constant 4 : i32
        %get3A_275 = arith.index_cast %get3A : i32 to index
        %get3A_276 = arith.constant 0 : index
        %get3A_277 = tpu.vector_load %arg11[%get3A_275, %get3A_276] {strides = array<i32>} : memref<6x80xi32, #tpu.memory_space<vmem>>, vector<16xi32>,
        tpu.vector_store_idx %arg15[%get3A_277], %broadcast_in_dim3A_3 {add = true} : memref<10240xf32, #tpu.memory_space<vmem>>[vector<16xi32>], vector<16xf32>,
        %get3A_278 = arith.constant 4 : i32
        %get3A_279 = arith.index_cast %get3A_278 : i32 to index
        %get3A_280 = arith.constant 16 : index
        %get3A_281 = tpu.vector_load %arg11[%get3A_279, %get3A_280] {strides = array<i32>} : memref<6x80xi32, #tpu.memory_space<vmem>>, vector<16xi32>,
        tpu.vector_store_idx %arg15[%get3A_281], %broadcast_in_dim3A_3 {add = true} : memref<10240xf32, #tpu.memory_space<vmem>>[vector<16xi32>], vector<16xf32>,
        %get3A_282 = arith.constant 4 : i32
        %get3A_283 = arith.index_cast %get3A_282 : i32 to index
        %get3A_284 = arith.constant 32 : index
        %get3A_285 = tpu.vector_load %arg11[%get3A_283, %get3A_284] {strides = array<i32>} : memref<6x80xi32, #tpu.memory_space<vmem>>, vector<16xi32>,
        tpu.vector_store_idx %arg15[%get3A_285], %broadcast_in_dim3A_3 {add = true} : memref<10240xf32, #tpu.memory_space<vmem>>[vector<16xi32>], vector<16xf32>,
        %get3A_286 = arith.constant 4 : i32
        %get3A_287 = arith.index_cast %get3A_286 : i32 to index
        %get3A_288 = arith.constant 48 : index
        %get3A_289 = tpu.vector_load %arg11[%get3A_287, %get3A_288] {strides = array<i32>} : memref<6x80xi32, #tpu.memory_space<vmem>>, vector<16xi32>,
        tpu.vector_store_idx %arg15[%get3A_289], %broadcast_in_dim3A_3 {add = true} : memref<10240xf32, #tpu.memory_space<vmem>>[vector<16xi32>], vector<16xf32>,
        %get3A_290 = arith.constant 4 : i32
        %get3A_291 = arith.index_cast %get3A_290 : i32 to index
        %get3A_292 = arith.constant 64 : index
        %get3A_293 = tpu.vector_load %arg11[%get3A_291, %get3A_292] {strides = array<i32>} : memref<6x80xi32, #tpu.memory_space<vmem>>, vector<16xi32>,
        tpu.vector_store_idx %arg15[%get3A_293], %broadcast_in_dim3A_3 {add = true} : memref<10240xf32, #tpu.memory_space<vmem>>[vector<16xi32>], vector<16xf32>,
      } else {
      }
      %mul3A_234 = arith.constant 6 : i32
      %mul3A_235 = arith.muli %scan3A_191, %mul3A_234 : i32
      %add3A_236 = arith.constant 5 : i32
      %add3A_237 = arith.addi %mul3A_235, %add3A_236 : i32
      %lt3A_238 = arith.constant 125 : i32
      %lt3A_239 = arith.cmpi slt, %add3A_237, %lt3A_238 : i32
      %convert_element_type3A_240 = arith.extui %lt3A_239 : i1 to i32
      %cond3A_241 = arith.constant 0 : i32
      %cond3A_242 = arith.cmpi ne, %convert_element_type3A_240, %cond3A_241 : i32
      scf.if %cond3A_242 {
        %dma_wait3A_243 = arith.constant 5 : i32
        %dma_wait3A_244 = arith.constant 0 : i32
        %dma_wait3A_245 = tpu.memref_slice %arg10[%dma_wait3A_243, %dma_wait3A_244] : memref<6x80xi32, #tpu.memory_space<vmem>> -> memref<1x80xi32, #tpu.memory_space<vmem>>
        %dma_wait3A_246 = tpu.memref_squeeze %dma_wait3A_245 : memref<1x80xi32, #tpu.memory_space<vmem>> -> memref<80xi32, #tpu.memory_space<vmem>>
        %dma_wait3A_247 = arith.constant 0 : i32
        %dma_wait3A_248 = arith.constant 0 : i32
        %dma_wait3A_249 = tpu.memref_slice %arg2[%dma_wait3A_247, %dma_wait3A_248] : memref<10000x128xf32, #tpu.memory_space<hbm>> -> memref<10000x128xf32, #tpu.memory_space<hbm>>
        tpu.wait_indirect_dma semaphore(%arg18 : memref<!tpu.dma_semaphore, #tpu.memory_space<semaphore_mem>>) src(%dma_wait3A_249 : memref<10000x128xf32, #tpu.memory_space<hbm>>) dst(%arg14 : memref<80x128xf32, #tpu.memory_space<vmem>>)
        %dma_start3A_250 = arith.constant 5 : i32
        %dma_start3A_251 = arith.constant 0 : i32
        %dma_start3A_252 = tpu.memref_slice %arg11[%dma_start3A_250, %dma_start3A_251] : memref<6x80xi32, #tpu.memory_space<vmem>> -> memref<1x80xi32, #tpu.memory_space<vmem>>
        %dma_start3A_253 = tpu.memref_squeeze %dma_start3A_252 : memref<1x80xi32, #tpu.memory_space<vmem>> -> memref<80xi32, #tpu.memory_space<vmem>>
        %dma_start3A_254 = arith.constant 0 : i32
        %dma_start3A_255 = arith.constant 0 : i32
        %dma_start3A_256 = tpu.memref_slice %arg9[%dma_start3A_254, %dma_start3A_255] : memref<10240x128xf32, #tpu.memory_space<vmem_shared>> -> memref<10240x128xf32, #tpu.memory_space<vmem_shared>>
        tpu.enqueue_indirect_dma source(%arg14 : memref<80x128xf32, #tpu.memory_space<vmem>>) target(%dma_start3A_256 : memref<10240x128xf32, #tpu.memory_space<vmem_shared>>) offsets(%dma_start3A_253 : memref<80xi32, #tpu.memory_space<vmem>>) semaphore(%arg21 : memref<!tpu.dma_semaphore, #tpu.memory_space<semaphore_mem>>) {add = true}
        %ge3A = arith.constant 1 : i32
        %ge3A_257 = arith.cmpi sge, %add3A_237, %ge3A : i32
        %convert_element_type3A_258 = arith.extui %ge3A_257 : i1 to i32
        %cond3A_259 = arith.constant 0 : i32
        %cond3A_260 = arith.cmpi ne, %convert_element_type3A_258, %cond3A_259 : i32
        scf.if %cond3A_260 {
          %dma_wait3A_294 = arith.constant 4 : i32
          %dma_wait3A_295 = arith.constant 0 : i32
          %dma_wait3A_296 = tpu.memref_slice %arg11[%dma_wait3A_294, %dma_wait3A_295] : memref<6x80xi32, #tpu.memory_space<vmem>> -> memref<1x80xi32, #tpu.memory_space<vmem>>
          %dma_wait3A_297 = tpu.memref_squeeze %dma_wait3A_296 : memref<1x80xi32, #tpu.memory_space<vmem>> -> memref<80xi32, #tpu.memory_space<vmem>>
          %dma_wait3A_298 = arith.constant 0 : i32
          %dma_wait3A_299 = arith.constant 0 : i32
          %dma_wait3A_300 = tpu.memref_slice %arg9[%dma_wait3A_298, %dma_wait3A_299] : memref<10240x128xf32, #tpu.memory_space<vmem_shared>> -> memref<10240x128xf32, #tpu.memory_space<vmem_shared>>
          tpu.wait_indirect_dma semaphore(%arg20 : memref<!tpu.dma_semaphore, #tpu.memory_space<semaphore_mem>>) src(%arg13 : memref<80x128xf32, #tpu.memory_space<vmem>>) dst(%dma_wait3A_300 : memref<10240x128xf32, #tpu.memory_space<vmem_shared>>)
        } else {
        }
        %add3A_261 = arith.constant 5 : i32
        %add3A_262 = arith.addi %add3A_237, %add3A_261 : i32
        %lt3A_263 = arith.constant 125 : i32
        %lt3A_264 = arith.cmpi slt, %add3A_262, %lt3A_263 : i32
        %convert_element_type3A_265 = arith.extui %lt3A_264 : i1 to i32
        %cond3A_266 = arith.constant 0 : i32
        %cond3A_267 = arith.cmpi ne, %convert_element_type3A_265, %cond3A_266 : i32
        scf.if %cond3A_267 {
          %add3A_294 = arith.constant 5 : i32
          %add3A_295 = arith.addi %add3A_237, %add3A_294 : i32
          %mul3A_296 = arith.constant 80 : i32
          %mul3A_297 = arith.muli %add3A_295, %mul3A_296 : i32
          %add3A_298 = arith.addi %mul3A_2, %mul3A_297 : i32
          %dma_start3A_299 = arith.constant 4 : i32
          %dma_start3A_300 = arith.constant 0 : i32
          %dma_start3A_301 = tpu.memref_slice %arg10[%dma_start3A_299, %dma_start3A_300] : memref<6x80xi32, #tpu.memory_space<vmem>> -> memref<1x80xi32, #tpu.memory_space<vmem>>
          %dma_start3A_302 = tpu.memref_squeeze %dma_start3A_301 : memref<1x80xi32, #tpu.memory_space<vmem>> -> memref<80xi32, #tpu.memory_space<vmem>>
          %dma_start3A_303 = tpu.memref_slice %arg3[%add3A_298] : memref<320000xi32, #tpu.memory_space<hbm>> -> memref<80xi32, #tpu.memory_space<hbm>>
          %dma_start3A_304 = arith.constant 0 : i32
          %dma_start3A_305 = tpu.memref_slice %arg10[%dma_start3A_299, %dma_start3A_304] : memref<6x80xi32, #tpu.memory_space<vmem>> -> memref<1x80xi32, #tpu.memory_space<vmem>>
          %dma_start3A_306 = tpu.memref_squeeze %dma_start3A_305 : memref<1x80xi32, #tpu.memory_space<vmem>> -> memref<80xi32, #tpu.memory_space<vmem>>
          %dma_start3A_307 = tpu.memref_slice %arg3[%add3A_298] : memref<320000xi32, #tpu.memory_space<hbm>> -> memref<80xi32, #tpu.memory_space<hbm>>
          tpu.enqueue_dma source(%dma_start3A_307 : memref<80xi32, #tpu.memory_space<hbm>>) target(%dma_start3A_306 : memref<80xi32, #tpu.memory_space<vmem>>) target_semaphore(%arg26 : memref<!tpu.dma_semaphore, #tpu.memory_space<semaphore_mem>>)
          %dma_start3A_308 = arith.constant 4 : i32
          %dma_start3A_309 = arith.constant 0 : i32
          %dma_start3A_310 = tpu.memref_slice %arg11[%dma_start3A_308, %dma_start3A_309] : memref<6x80xi32, #tpu.memory_space<vmem>> -> memref<1x80xi32, #tpu.memory_space<vmem>>
          %dma_start3A_311 = tpu.memref_squeeze %dma_start3A_310 : memref<1x80xi32, #tpu.memory_space<vmem>> -> memref<80xi32, #tpu.memory_space<vmem>>
          %dma_start3A_312 = tpu.memref_slice %arg4[%add3A_298] : memref<320000xi32, #tpu.memory_space<hbm>> -> memref<80xi32, #tpu.memory_space<hbm>>
          %dma_start3A_313 = arith.constant 0 : i32
          %dma_start3A_314 = tpu.memref_slice %arg11[%dma_start3A_308, %dma_start3A_313] : memref<6x80xi32, #tpu.memory_space<vmem>> -> memref<1x80xi32, #tpu.memory_space<vmem>>
          %dma_start3A_315 = tpu.memref_squeeze %dma_start3A_314 : memref<1x80xi32, #tpu.memory_space<vmem>> -> memref<80xi32, #tpu.memory_space<vmem>>
          %dma_start3A_316 = tpu.memref_slice %arg4[%add3A_298] : memref<320000xi32, #tpu.memory_space<hbm>> -> memref<80xi32, #tpu.memory_space<hbm>>
          tpu.enqueue_dma source(%dma_start3A_316 : memref<80xi32, #tpu.memory_space<hbm>>) target(%dma_start3A_315 : memref<80xi32, #tpu.memory_space<vmem>>) target_semaphore(%arg26 : memref<!tpu.dma_semaphore, #tpu.memory_space<semaphore_mem>>)
        } else {
        }
        %add3A_268 = arith.constant 2 : i32
        %add3A_269 = arith.addi %add3A_237, %add3A_268 : i32
        %lt3A_270 = arith.constant 125 : i32
        %lt3A_271 = arith.cmpi slt, %add3A_269, %lt3A_270 : i32
        %convert_element_type3A_272 = arith.extui %lt3A_271 : i1 to i32
        %cond3A_273 = arith.constant 0 : i32
        %cond3A_274 = arith.cmpi ne, %convert_element_type3A_272, %cond3A_273 : i32
        scf.if %cond3A_274 {
          %add3A_294 = arith.constant 2 : i32
          %add3A_295 = arith.addi %add3A_237, %add3A_294 : i32
          %mul3A_296 = arith.constant 80 : i32
          %mul3A_297 = arith.muli %add3A_295, %mul3A_296 : i32
          %add3A_298 = arith.addi %mul3A_2, %mul3A_297 : i32
          %dma_wait3A_299 = arith.constant 1 : i32
          %dma_wait3A_300 = arith.constant 0 : i32
          %dma_wait3A_301 = tpu.memref_slice %arg10[%dma_wait3A_299, %dma_wait3A_300] : memref<6x80xi32, #tpu.memory_space<vmem>> -> memref<1x80xi32, #tpu.memory_space<vmem>>
          %dma_wait3A_302 = tpu.memref_squeeze %dma_wait3A_301 : memref<1x80xi32, #tpu.memory_space<vmem>> -> memref<80xi32, #tpu.memory_space<vmem>>
          %dma_wait3A_303 = tpu.memref_slice %arg3[%add3A_298] : memref<320000xi32, #tpu.memory_space<hbm>> -> memref<80xi32, #tpu.memory_space<hbm>>
          %dma_wait3A_304 = arith.constant 0 : i32
          %dma_wait3A_305 = tpu.memref_slice %arg10[%dma_wait3A_299, %dma_wait3A_304] : memref<6x80xi32, #tpu.memory_space<vmem>> -> memref<1x80xi32, #tpu.memory_space<vmem>>
          %dma_wait3A_306 = tpu.memref_squeeze %dma_wait3A_305 : memref<1x80xi32, #tpu.memory_space<vmem>> -> memref<80xi32, #tpu.memory_space<vmem>>
          %dma_wait3A_307 = tpu.memref_slice %arg3[%add3A_298] : memref<320000xi32, #tpu.memory_space<hbm>> -> memref<80xi32, #tpu.memory_space<hbm>>
          tpu.wait_dma2 semaphore(%arg23 : memref<!tpu.dma_semaphore, #tpu.memory_space<semaphore_mem>>) src(%dma_wait3A_307 : memref<80xi32, #tpu.memory_space<hbm>>) dst(%dma_wait3A_306 : memref<80xi32, #tpu.memory_space<vmem>>)
          %dma_wait3A_308 = arith.constant 1 : i32
          %dma_wait3A_309 = arith.constant 0 : i32
          %dma_wait3A_310 = tpu.memref_slice %arg11[%dma_wait3A_308, %dma_wait3A_309] : memref<6x80xi32, #tpu.memory_space<vmem>> -> memref<1x80xi32, #tpu.memory_space<vmem>>
          %dma_wait3A_311 = tpu.memref_squeeze %dma_wait3A_310 : memref<1x80xi32, #tpu.memory_space<vmem>> -> memref<80xi32, #tpu.memory_space<vmem>>
          %dma_wait3A_312 = tpu.memref_slice %arg4[%add3A_298] : memref<320000xi32, #tpu.memory_space<hbm>> -> memref<80xi32, #tpu.memory_space<hbm>>
          %dma_wait3A_313 = arith.constant 0 : i32
          %dma_wait3A_314 = tpu.memref_slice %arg11[%dma_wait3A_308, %dma_wait3A_313] : memref<6x80xi32, #tpu.memory_space<vmem>> -> memref<1x80xi32, #tpu.memory_space<vmem>>
          %dma_wait3A_315 = tpu.memref_squeeze %dma_wait3A_314 : memref<1x80xi32, #tpu.memory_space<vmem>> -> memref<80xi32, #tpu.memory_space<vmem>>
          %dma_wait3A_316 = tpu.memref_slice %arg4[%add3A_298] : memref<320000xi32, #tpu.memory_space<hbm>> -> memref<80xi32, #tpu.memory_space<hbm>>
          tpu.wait_dma2 semaphore(%arg23 : memref<!tpu.dma_semaphore, #tpu.memory_space<semaphore_mem>>) src(%dma_wait3A_316 : memref<80xi32, #tpu.memory_space<hbm>>) dst(%dma_wait3A_315 : memref<80xi32, #tpu.memory_space<vmem>>)
          %dma_start3A_317 = arith.constant 1 : i32
          %dma_start3A_318 = arith.constant 0 : i32
          %dma_start3A_319 = tpu.memref_slice %arg10[%dma_start3A_317, %dma_start3A_318] : memref<6x80xi32, #tpu.memory_space<vmem>> -> memref<1x80xi32, #tpu.memory_space<vmem>>
          %dma_start3A_320 = tpu.memref_squeeze %dma_start3A_319 : memref<1x80xi32, #tpu.memory_space<vmem>> -> memref<80xi32, #tpu.memory_space<vmem>>
          %dma_start3A_321 = arith.constant 0 : i32
          %dma_start3A_322 = arith.constant 0 : i32
          %dma_start3A_323 = tpu.memref_slice %arg2[%dma_start3A_321, %dma_start3A_322] : memref<10000x128xf32, #tpu.memory_space<hbm>> -> memref<10000x128xf32, #tpu.memory_space<hbm>>
          tpu.enqueue_indirect_dma source(%dma_start3A_323 : memref<10000x128xf32, #tpu.memory_space<hbm>>) target(%arg13 : memref<80x128xf32, #tpu.memory_space<vmem>>) offsets(%dma_start3A_320 : memref<80xi32, #tpu.memory_space<vmem>>) semaphore(%arg17 : memref<!tpu.dma_semaphore, #tpu.memory_space<semaphore_mem>>)
        } else {
        }
        %get3A = arith.constant 5 : i32
        %get3A_275 = arith.index_cast %get3A : i32 to index
        %get3A_276 = arith.constant 0 : index
        %get3A_277 = tpu.vector_load %arg11[%get3A_275, %get3A_276] {strides = array<i32>} : memref<6x80xi32, #tpu.memory_space<vmem>>, vector<16xi32>,
        tpu.vector_store_idx %arg15[%get3A_277], %broadcast_in_dim3A_3 {add = true} : memref<10240xf32, #tpu.memory_space<vmem>>[vector<16xi32>], vector<16xf32>,
        %get3A_278 = arith.constant 5 : i32
        %get3A_279 = arith.index_cast %get3A_278 : i32 to index
        %get3A_280 = arith.constant 16 : index
        %get3A_281 = tpu.vector_load %arg11[%get3A_279, %get3A_280] {strides = array<i32>} : memref<6x80xi32, #tpu.memory_space<vmem>>, vector<16xi32>,
        tpu.vector_store_idx %arg15[%get3A_281], %broadcast_in_dim3A_3 {add = true} : memref<10240xf32, #tpu.memory_space<vmem>>[vector<16xi32>], vector<16xf32>,
        %get3A_282 = arith.constant 5 : i32
        %get3A_283 = arith.index_cast %get3A_282 : i32 to index
        %get3A_284 = arith.constant 32 : index
        %get3A_285 = tpu.vector_load %arg11[%get3A_283, %get3A_284] {strides = array<i32>} : memref<6x80xi32, #tpu.memory_space<vmem>>, vector<16xi32>,
        tpu.vector_store_idx %arg15[%get3A_285], %broadcast_in_dim3A_3 {add = true} : memref<10240xf32, #tpu.memory_space<vmem>>[vector<16xi32>], vector<16xf32>,
        %get3A_286 = arith.constant 5 : i32
        %get3A_287 = arith.index_cast %get3A_286 : i32 to index
        %get3A_288 = arith.constant 48 : index
        %get3A_289 = tpu.vector_load %arg11[%get3A_287, %get3A_288] {strides = array<i32>} : memref<6x80xi32, #tpu.memory_space<vmem>>, vector<16xi32>,
        tpu.vector_store_idx %arg15[%get3A_289], %broadcast_in_dim3A_3 {add = true} : memref<10240xf32, #tpu.memory_space<vmem>>[vector<16xi32>], vector<16xf32>,
        %get3A_290 = arith.constant 5 : i32
        %get3A_291 = arith.index_cast %get3A_290 : i32 to index
        %get3A_292 = arith.constant 64 : index
        %get3A_293 = tpu.vector_load %arg11[%get3A_291, %get3A_292] {strides = array<i32>} : memref<6x80xi32, #tpu.memory_space<vmem>>, vector<16xi32>,
        tpu.vector_store_idx %arg15[%get3A_293], %broadcast_in_dim3A_3 {add = true} : memref<10240xf32, #tpu.memory_space<vmem>>[vector<16xi32>], vector<16xf32>,
      } else {
      }
    }
    %scan3A_166 = arith.constant 21 : i32
    %dma_wait3A_167 = arith.constant 4 : i32
    %dma_wait3A_168 = arith.constant 0 : i32
    %dma_wait3A_169 = tpu.memref_slice %arg11[%dma_wait3A_167, %dma_wait3A_168] : memref<6x80xi32, #tpu.memory_space<vmem>> -> memref<1x80xi32, #tpu.memory_space<vmem>>
    %dma_wait3A_170 = tpu.memref_squeeze %dma_wait3A_169 : memref<1x80xi32, #tpu.memory_space<vmem>> -> memref<80xi32, #tpu.memory_space<vmem>>
    %dma_wait3A_171 = arith.constant 0 : i32
    %dma_wait3A_172 = arith.constant 0 : i32
    %dma_wait3A_173 = tpu.memref_slice %arg9[%dma_wait3A_171, %dma_wait3A_172] : memref<10240x128xf32, #tpu.memory_space<vmem_shared>> -> memref<10240x128xf32, #tpu.memory_space<vmem_shared>>
    tpu.wait_indirect_dma semaphore(%arg20 : memref<!tpu.dma_semaphore, #tpu.memory_space<semaphore_mem>>) src(%arg13 : memref<80x128xf32, #tpu.memory_space<vmem>>) dst(%dma_wait3A_173 : memref<10240x128xf32, #tpu.memory_space<vmem_shared>>)
    %mul3A_174 = arith.constant 16 : i32
    %mul3A_175 = arith.muli %arg0, %mul3A_174 : i32
    %add3A_176 = arith.addi %mul3A_175, %arg1 : i32
    %mul3A_177 = arith.constant 10240 : i32
    %mul3A_178 = arith.muli %add3A_176, %mul3A_177 : i32
    %dma_start3A_179 = tpu.memref_slice %arg8[%mul3A_178] : memref<327680xf32, #tpu.memory_space<hbm>> -> memref<10240xf32, #tpu.memory_space<hbm>>
    %dma_start3A_180 = tpu.memref_slice %arg8[%mul3A_178] : memref<327680xf32, #tpu.memory_space<hbm>> -> memref<10240xf32, #tpu.memory_space<hbm>>
    tpu.enqueue_dma source(%arg15 : memref<10240xf32, #tpu.memory_space<vmem>>) target(%dma_start3A_180 : memref<10240xf32, #tpu.memory_space<hbm>>) target_semaphore(%arg16 : memref<!tpu.dma_semaphore, #tpu.memory_space<semaphore_mem>>)
    %barrier3A_181 = arith.constant 0 : index
    tpu.barrier barrier_id(%barrier3A_181)
    %mul3A_182 = arith.constant 10240 : i32
    %mul3A_183 = arith.muli %arg0, %mul3A_182 : i32
    %mul3A_184 = arith.constant 640 : i32
    %mul3A_185 = arith.muli %arg1, %mul3A_184 : i32
    %add3A_186 = arith.addi %mul3A_183, %mul3A_185 : i32
    %mul3A_187 = arith.constant 640 : i32
    %mul3A_188 = arith.muli %arg1, %mul3A_187 : i32
    "tpu.region"() ({
      %run_scoped3A = tpu.sem_alloc : memref<!tpu.dma_semaphore, #tpu.memory_space<semaphore_mem>>
      %dma_start3A_191 = arith.constant 0 : i32
      %dma_start3A_192 = tpu.memref_slice %arg7[%add3A_186, %dma_start3A_191] : memref<20480x128xf32, #tpu.memory_space<hbm>> -> memref<640x128xf32, #tpu.memory_space<hbm>>
      %dma_start3A_193 = arith.constant 0 : i32
      %dma_start3A_194 = tpu.memref_slice %arg9[%mul3A_188, %dma_start3A_193] : memref<10240x128xf32, #tpu.memory_space<vmem_shared>> -> memref<640x128xf32, #tpu.memory_space<vmem_shared>>
      tpu.enqueue_dma source(%dma_start3A_194 : memref<640x128xf32, #tpu.memory_space<vmem_shared>>) target(%dma_start3A_192 : memref<640x128xf32, #tpu.memory_space<hbm>>) target_semaphore(%run_scoped3A : memref<!tpu.dma_semaphore, #tpu.memory_space<semaphore_mem>>)
      %dma_wait3A_195 = arith.constant 0 : i32
      %dma_wait3A_196 = tpu.memref_slice %arg7[%add3A_186, %dma_wait3A_195] : memref<20480x128xf32, #tpu.memory_space<hbm>> -> memref<640x128xf32, #tpu.memory_space<hbm>>
      %dma_wait3A_197 = arith.constant 0 : i32
      %dma_wait3A_198 = tpu.memref_slice %arg9[%mul3A_188, %dma_wait3A_197] : memref<10240x128xf32, #tpu.memory_space<vmem_shared>> -> memref<640x128xf32, #tpu.memory_space<vmem_shared>>
      tpu.wait_dma2 semaphore(%run_scoped3A : memref<!tpu.dma_semaphore, #tpu.memory_space<semaphore_mem>>) src(%dma_wait3A_198 : memref<640x128xf32, #tpu.memory_space<vmem_shared>>) dst(%dma_wait3A_196 : memref<640x128xf32, #tpu.memory_space<hbm>>)
      tpu.yield
    }) : () -> ()
    %dma_wait3A_189 = tpu.memref_slice %arg8[%mul3A_178] : memref<327680xf32, #tpu.memory_space<hbm>> -> memref<10240xf32, #tpu.memory_space<hbm>>
    %dma_wait3A_190 = tpu.memref_slice %arg8[%mul3A_178] : memref<327680xf32, #tpu.memory_space<hbm>> -> memref<10240xf32, #tpu.memory_space<hbm>>
    tpu.wait_dma2 semaphore(%arg16 : memref<!tpu.dma_semaphore, #tpu.memory_space<semaphore_mem>>) src(%arg15 : memref<10240xf32, #tpu.memory_space<vmem>>) dst(%dma_wait3A_190 : memref<10240xf32, #tpu.memory_space<hbm>>)
    return
  }
}

module attributes {stable_mosaic.version = 14 : i64} {
  func.func @_combine_body(%arg0: i32, %arg1: memref<2x2048x128xf32, #tpu.memory_space<vmem>>, %arg2: memref<32x2048xf32, #tpu.memory_space<vmem>>, %arg3: memref<2048x128xf32, #tpu.memory_space<vmem>>, %arg4: memref<2048x128xf32, #tpu.memory_space<vmem>>) attributes {dimension_semantics = [#tpu.dimension_semantics<arbitrary>], iteration_bounds = array<i64: 5>, scalar_prefetch = 0 : i64, scratch_operands = 0 : i64, tpu.core_type = #tpu.core_type<tc>, window_params = [{transform_indices = @transform_0, window_bounds = array<i64: 2, 2048, 128>}, {transform_indices = @transform_1, window_bounds = array<i64: 32, 2048>}, {transform_indices = @transform_2, window_bounds = array<i64: 2048, 128>}, {transform_indices = @transform_3, window_bounds = array<i64: 2048, 128>}]} {
    %get3A = arith.constant 0 : index
    %get3A_0 = arith.constant 0 : index
    %get3A_1 = arith.constant 0 : index
    %get3A_2 = vector.load %arg1[%get3A, %get3A_0, %get3A_1] : memref<2x2048x128xf32, #tpu.memory_space<vmem>>, vector<1x2048x128xf32>
    %get3A_3 = vector.shape_cast %get3A_2 : vector<1x2048x128xf32> to vector<2048x128xf32>
    %get3A_4 = arith.constant 1 : index
    %get3A_5 = arith.constant 0 : index
    %get3A_6 = arith.constant 0 : index
    %get3A_7 = vector.load %arg1[%get3A_4, %get3A_5, %get3A_6] : memref<2x2048x128xf32, #tpu.memory_space<vmem>>, vector<1x2048x128xf32>
    %get3A_8 = vector.shape_cast %get3A_7 : vector<1x2048x128xf32> to vector<2048x128xf32>
    %add3A = arith.addf %get3A_3, %get3A_8 : vector<2048x128xf32>
    %broadcast_in_dim3A = arith.constant 1.000000e+00 : f32
    %broadcast_in_dim3A_9 = vector.broadcast %broadcast_in_dim3A : f32 to vector<32x1xf32>
    %get3A_10 = arith.constant 0 : index
    %get3A_11 = arith.constant 0 : index
    %get3A_12 = vector.load %arg2[%get3A_10, %get3A_11] : memref<32x2048xf32, #tpu.memory_space<vmem>>, vector<32x2048xf32>
    %dot_general3A = arith.constant dense<0.000000e+00> : vector<2048x1xf32>
    %dot_general3A_13 = tpu.matmul %get3A_12, %broadcast_in_dim3A_9, %dot_general3A {dimension_numbers = #tpu.dot_dimension_numbers<[0], [0], [1], [1], [0, 1, 1, 1], [], []>, transpose_lhs_hint = false} : vector<32x2048xf32>, vector<32x1xf32>, vector<2048x1xf32> -> vector<2048x1xf32>
    %max3A = arith.constant 1.000000e+00 : f32
    %max3A_14 = vector.broadcast %max3A : f32 to vector<2048x1xf32>
    %max3A_15 = arith.maximumf %dot_general3A_13, %max3A_14 : vector<2048x1xf32>
    %div3A = vector.broadcast %max3A_15 : vector<2048x1xf32> to vector<2048x128xf32>
    %div3A_16 = arith.divf %add3A, %div3A : vector<2048x128xf32>
    %gt3A = arith.constant 0.000000e+00 : f32
    %gt3A_17 = vector.broadcast %gt3A : f32 to vector<2048x1xf32>
    %gt3A_18 = arith.cmpf ogt, %dot_general3A_13, %gt3A_17 : vector<2048x1xf32>
    %get3A_19 = arith.constant 0 : index
    %get3A_20 = arith.constant 0 : index
    %get3A_21 = vector.load %arg3[%get3A_19, %get3A_20] : memref<2048x128xf32, #tpu.memory_space<vmem>>, vector<2048x128xf32>
    %broadcast_in_dim3A_22 = vector.shape_cast %gt3A_18 : vector<2048x1xi1> to vector<2048x1xi1>
    %broadcast_in_dim3A_23 = vector.broadcast %broadcast_in_dim3A_22 : vector<2048x1xi1> to vector<2048x128xi1>
    %select_n3A = arith.select %broadcast_in_dim3A_23, %div3A_16, %get3A_21 : vector<2048x128xi1>, vector<2048x128xf32>
    %swap3A = arith.constant 0 : index
    %swap3A_24 = arith.constant 0 : index
    %swap3A_25 = vector.load %arg4[%swap3A, %swap3A_24] : memref<2048x128xf32, #tpu.memory_space<vmem>>, vector<2048x128xf32>
    tpu.vector_store %arg4[%swap3A, %swap3A_24], %select_n3A {strides = array<i32>} : memref<2048x128xf32, #tpu.memory_space<vmem>>, vector<2048x128xf32>,
    return
  }
  func.func @transform_0(%arg0: i32) -> (i32, i32, i32) {
    %c0_i32 = arith.constant 0 : i32
    %c0_i32_0 = arith.constant 0 : i32
    %c0_i32_1 = arith.constant 0 : i32
    return %c0_i32, %arg0, %c0_i32_0 : i32, i32, i32
  }
  func.func @transform_1(%arg0: i32) -> (i32, i32) {
    %c0_i32 = arith.constant 0 : i32
    %c0_i32_0 = arith.constant 0 : i32
    return %c0_i32, %arg0 : i32, i32
  }
  func.func @transform_2(%arg0: i32) -> (i32, i32) {
    %c0_i32 = arith.constant 0 : i32
    %c0_i32_0 = arith.constant 0 : i32
    return %arg0, %c0_i32 : i32, i32
  }
  func.func @transform_3(%arg0: i32) -> (i32, i32) {
    %c0_i32 = arith.constant 0 : i32
    %c0_i32_0 = arith.constant 0 : i32
    return %arg0, %c0_i32 : i32, i32
  }
}

</mosaic_0001>

<sc_bundles>
// kernel: kernel.4.cloned.1.call-start
scs
__scs_entry_jumppad:
0x0: {  	(pc) =	sbr.rel $0x88, $3  }
0x1: {  	(tag) =	ssettag $0x0;
	lr =	simm.s32 $0x1  }
0x2: {  	[smem:$0x3F9F] =	sst lr;
	_ =	strace $0xD0000000  }
0x3: {  	_ = 	snop  }
0x4: {  	_ = 	snop  }
0x5: {  	_ = 	snop  }
0x6: {  	_ = 	snop  }
0x7: {  	_ = 	snop  }
__scs_overlays_trampoline_lowered:
0x8: {  	[smem:$0x3FAE] =	sst s0  }
0x9: {  	[smem:$0x3FAF] =	sst s1  }
0xa: {  	[smem:$0x3FB0] =	sst s2  }
0xb: {  	[smem:$0x3FB1] =	sst s3  }
0xc: {  	[smem:$0x3FB2] =	sst s4  }
0xd: {  	[smem:$0x3FB3] =	sst s5  }
0xe: {  	[smem:$0x3FB4] =	sst s6  }
0xf: {  	[smem:$0x3FB5] =	sst s7  }
0x10: {  	[smem:$0x3FB6] =	sst s8  }
0x11: {  	[smem:$0x3FB7] =	sst s9;
	s0 =	simm.s32 @!p0 $0x0  }
0x12: {  	s1 =	sld [smem:$0x3F9D];
	s0 =	simm.s32 @p0 $0x1  }
0x13: {  	[smem:$0x3FB8] =	sst s0;
	s0 =	simm.s32 @!p1 $0x0  }
0x14: {  	s2 =	sld [smem:$0x3F9C];
	s0 =	simm.s32 @p1 $0x1  }
0x15: {  	[smem:$0x3FB9] =	sst s0;
	s0 =	simm.s32 @!p2 $0x0  }
0x16: {  	s3 =	sld [smem:$0x3FDB];
	s0 =	simm.s32 @p2 $0x1  }
0x17: {  	s4 =	simm.s32 $0x1BF5;
	[smem:$0x3FBB] =	sst s0  }
0x18: {  	s0 =	sld [smem:$0x3F9E];
	_ =	swait.ge [sflag:s4], $0x0  }
0x19: {  	s7 =	sld [smem:$0x3F9F]  }
0x1a: {  	s8 =	sadd.s32 $0xFFFFE003, lr  }
0x1b: {  	s9 =	sadd.s32 $0xFFFFFEF7, lr;
	s5 =	simm.s32 $0xFFFFFFFF;
	p2 =	slt.u32 s8, $0xFFFFF086  }
0x1c: {  	p1 =	slt.u32 s9, $0xF7A;
	s5 =	simm.s32 @!p2 $0x0  }
0x1d: {  	s5 =	simm.s32 @p1 $0x1;
	p0 =	seq.s32 s7, s2  }
0x1e: {  	s7 =	smul.u32 @!p0 $0xF7A, s2;
	p2 =	seq.s32 @!p0 s5, $0x0  }
0x1f: {  	s9 =	smul.u32 $0xF7A, s1;
	s8 =	simm.s32 @!p0 $0x1BF5;
	p2 =	por !p2, p0  }
0x20: {  	[sflag:s8] =	ssyncset.s32 @!p0 $0xFFFFF086;
	s6 =	sadd.s32 @!p0 s3, s7;
	s7 =	simm.s32 @!p0 $0x108  }
0x21: {  	s3 =	sadd.s32 s3, s9;
	s6 =	sadd.s32 @!p0 $0x88, s6;
	s7 =	simm.s32 @p2 $0x1082  }
0x22: {  	[simem:s7], [sflag:s8] =	dma.local @!p0 [hbm:s6], $0xF7A  }
0x23: {  	s9 =	sor.u32 $0xD0000000, s2;
	s6 =	simm.s32 $0x108;
	_ =	swait.ge @!p0 [sflag:s8], $0x0  }
0x24: {  	s3 =	sadd.s32 $0x88, s3;
	s6 =	simm.s32 @!p1 $0x1082;
	[sflag:s4] =	ssyncset.s32 $0xFFFFF086  }
0x25: {  	[simem:s6], [sflag:s4] =	dma.local [hbm:s3], $0xF7A  }
0x26: {  	[smem:$0x3F9F] =	sst s1;
	(tag) =	ssettag s2;
	_ =	strace s9  }
0x27: {  	s1 =	sld [smem:$0x3FAF]  }
0x28: {  	s2 =	sld [smem:$0x3FB0]  }
0x29: {  	s4 =	sld [smem:$0x3FB2]  }
0x2a: {  	p0 =	seq.s32 s5, $0x0;
	s5 =	sld [smem:$0x3FB3]  }
0x2b: {  	s6 =	sld [smem:$0x3FB4]  }
0x2c: {  	s7 =	sld [smem:$0x3FB5]  }
0x2d: {  	s3 =	simm.s32 $0x108;
	s8 =	sld [smem:$0x3FB6]  }
0x2e: {  	s3 =	simm.s32 @!p0 $0x1082;
	s9 =	sld [smem:$0x3FB7]  }
0x2f: {  	lr =	sadd.s32 s0, s3;
	s0 =	sld [smem:$0x3FAE]  }
0x30: {  	s3 =	sld [smem:$0x3FB1]  }
0x31: {  	[smem:$0x3FBA] =	sst s10  }
0x32: {  	s10 =	sld [smem:$0x3FB8];
	_ =	sdelay $0x3  }
0x33: {  	p0 =	seq.s32 s10, $0x1;
	s10 =	sld [smem:$0x3FBA];
	_ =	sdelay $0x3  }
0x34: {  	[smem:$0x3FBA] =	sst s10  }
0x35: {  	s10 =	sld [smem:$0x3FB9];
	_ =	sdelay $0x3  }
0x36: {  	p1 =	seq.s32 s10, $0x1;
	s10 =	sld [smem:$0x3FBA];
	_ =	sdelay $0x3  }
0x37: {  	[smem:$0x3FBA] =	sst s10  }
0x38: {  	s10 =	sld [smem:$0x3FBB]  }
0x39: {  	_ = 	snop;
	(pc) =	sbr.ind lr, $3  }
0x3a: {  	_ = 	snop  }
0x3b: {  	_ = 	snop  }
0x3c: {  	p2 =	seq.s32 s10, $0x1;
	s10 =	sld [smem:$0x3FBA]  }
0x3d: {  	_ =	shalt  }
0x3e: {  	_ =	shalt  }
0x3f: {  	_ =	shalt  }
0x40: {  	_ =	shalt  }
0x41: {  	_ =	shalt  }
0x42: {  	_ =	shalt  }
0x43: {  	_ =	shalt  }
0x44: {  	_ =	shalt  }
0x45: {  	_ =	shalt  }
0x46: {  	_ =	shalt  }
0x47: {  	_ =	shalt  }
0x48: {  	_ =	shalt  }
0x49: {  	_ =	shalt  }
0x4a: {  	_ =	shalt  }
0x4b: {  	_ =	shalt  }
0x4c: {  	_ =	shalt  }
0x4d: {  	_ =	shalt  }
0x4e: {  	_ =	shalt  }
0x4f: {  	_ =	shalt  }
0x50: {  	_ =	shalt  }
0x51: {  	_ =	shalt  }
0x52: {  	_ =	shalt  }
0x53: {  	_ =	shalt  }
0x54: {  	_ =	shalt  }
0x55: {  	_ =	shalt  }
0x56: {  	_ =	shalt  }
0x57: {  	_ =	shalt  }
0x58: {  	_ =	shalt  }
0x59: {  	_ =	shalt  }
0x5a: {  	_ =	shalt  }
0x5b: {  	_ =	shalt  }
0x5c: {  	_ =	shalt  }
0x5d: {  	_ =	shalt  }
0x5e: {  	_ =	shalt  }
0x5f: {  	_ =	shalt  }
0x60: {  	_ =	shalt  }
0x61: {  	_ =	shalt  }
0x62: {  	_ =	shalt  }
0x63: {  	_ =	shalt  }
0x64: {  	_ =	shalt  }
0x65: {  	_ =	shalt  }
0x66: {  	_ =	shalt  }
0x67: {  	_ =	shalt  }
0x68: {  	_ =	shalt  }
0x69: {  	_ =	shalt  }
0x6a: {  	_ =	shalt  }
0x6b: {  	_ =	shalt  }
0x6c: {  	_ =	shalt  }
0x6d: {  	_ =	shalt  }
0x6e: {  	_ =	shalt  }
0x6f: {  	_ =	shalt  }
0x70: {  	_ =	shalt  }
0x71: {  	_ =	shalt  }
0x72: {  	_ =	shalt  }
0x73: {  	_ =	shalt  }
0x74: {  	_ =	shalt  }
0x75: {  	_ =	shalt  }
0x76: {  	_ =	shalt  }
0x77: {  	_ =	shalt  }
0x78: {  	_ =	shalt  }
0x79: {  	_ =	shalt  }
0x7a: {  	_ =	shalt  }
0x7b: {  	_ =	shalt  }
0x7c: {  	_ =	shalt  }
0x7d: {  	_ =	shalt  }
0x7e: {  	_ =	shalt  }
0x7f: {  	_ =	shalt  }
0x80: {  	_ =	shalt  }
0x81: {  	_ =	shalt  }
0x82: {  	_ =	shalt  }
0x83: {  	_ =	shalt  }
0x84: {  	_ =	shalt  }
0x85: {  	_ =	shalt  }
0x86: {  	_ =	shalt  }
0x87: {  	_ =	shalt  }
.Lfunc_end0:
.L_simem_size_0:
called_computation_lowered:
.L_overlay_start_0:
0x88: {  	s2 =	sld [smem:$0x3FD9]  }
0x89: {  	s3 =	sld [smem:$0x3FFE];
	_ =	sdelay $0x1  }
0x8a: {  	s1 =	srdreg.scid  }
0x8b: {  	s0 =	sand.u32 $0x1, s1  }
0x8c: {  	s17 =	sshll.u32 s0, $0xA;
	s2 =	sadd.s32 s3, s2  }
0x8d: {  	s2 =	sadd.s32 s2, s17  }
0x8e: {  	[smem:$0x3FC6] =	sst s2  }
0x8f: {  	_ = 	snop  }
0x90: {  	s2 =	sld [smem:$0x3FC9]  }
0x91: {  	s18 =	sld [smem:$0x3FD0];
	(tm) =	ssettm $0x1  }
0x92: {  	s4 =	sld [smem:$0x3FFB];
	_ =	sdelay $0x3  }
0x93: {  	_ =	strace s4  }
0x94: {  	s4 =	sld [smem:$0x3FFC];
	_ =	sdelay $0x3  }
0x95: {  	_ =	strace s4  }
0x96: {  	s4 =	sld [smem:$0x3FFD];
	_ =	sdelay $0x3  }
0x97: {  	_ =	strace s4  }
0x98: {  	_ =	strace $0x8FFFFFFF  }
0x99: {  	s19 =	sld [smem:$0x3FDB];
	_ =	sdelay $0x1  }
0x9a: {  	s5 =	simm.s32 $_scs_section_size  }
0x9b: {  	s6 =	simm.s32 $_size__tile_overlayer_lowered;
	s7 =	simm.s32 $_tile_overlayer_lowered  }
0x9c: {  	s22 =	simm.s32 $0x1BFF;
	s21 =	sshll.u32 s7, $0x1;
	s4 =	sadd.s32 s5, s19  }
0x9d: {  	s8 =	simm.s32 $0x0;
	s20 =	sshll.u32 s6, $0x1;
	s6 =	sadd.s32 s21, s4  }
0x9e: {  	[timem:s8], [sflag:s22] =	dma.local [hbm:s6], s20  }
0x9f: {  	_ =	swait.ge [sflag:s22], s20  }
0xa0: {  	s5 =	ssub.s32 $0x0, s20;
	[sflag:s22] =	ssyncset.done $0x0  }
0xa1: {  	[sflag:s22] =	ssyncadd.s32 s5;
	_ =	sdelay $0x1  }
0xa2: {  	s23 =	simm.s32 $0x1B8B  }
0xa3: {  	_ =	swait.ge [sflag:s23], $0x1  }
0xa4: {  	[sflag:s23] =	ssyncset.done $0x0  }
0xa5: {  	s25 =	simm.s32 $0x1B8E;
	s24 =	sld [smem:$0x3FFE];
	[sflag:s23] =	ssyncadd.s32 $0xFFFFFFFF  }
0xa6: {  	s26 =	simm.s32 $execute0_lowered;
	[smem:$0x3FD2] =	sst s25  }
0xa7: {  	s6 =	sshll.u32 s26, $0x1;
	_ =	strace $0x80000046;
	[dreg:$0x1] =	wrdreg $0xFFFFFFFF  }
0xa8: {  	s28 =	simm.s32 $_size_execute0_lowered;
	s4 =	sadd.s32 s4, s6;
	[dreg:$0x0] =	wrdreg $0x0  }
0xa9: {  	s6 =	sshll.u32 s28, $0x1;
	[dreg:$0x2] =	wrdreg s4  }
0xaa: {  	[dreg:$0x3] =	wrdreg s6  }
0xab: {  	[dreg:$0x4] =	wrdreg $0xC0  }
0xac: {  	_ =	task [dreg:s8], $0x5FFFF  }
0xad: {  	[dreg:$0x1] =	wrdreg $0xFFFFFFFF  }
0xae: {  	[dreg:$0x0] =	wrdreg $0x60  }
0xaf: {  	[dreg:$0x2] =	wrdreg s2  }
0xb0: {  	[dreg:$0x3] =	wrdreg s24  }
0xb1: {  	[dreg:$0x4] =	wrdreg s18  }
0xb2: {  	[dreg:$0x5] =	wrdreg $0x0  }
0xb3: {  	[dreg:$0x6] =	wrdreg $0x9  }
0xb4: {  	_ =	task.clear_ibuf [dreg:s8], $0x7FFFF;
	_ =	strace $0x90000046  }
0xb5: {  	s29 =	simm.s32 $0x9;
	_ =	strace $0x80000048  }
0xb6: {  	_ =	swait.ge [sflag:s29], $0x1  }
0xb7: {  	[sflag:s29] =	ssyncadd.s32 $0xFFFFFFFF  }
0xb8: {  	_ =	strace $0x90000048  }
0xb9: {  	_ =	sfence  }
0xba: {  	s30 =	sld [smem:$0x0];
	_ =	sdelay $0x2  }
0xbb: {  	s31 =	sshll.u32 s1, $0xD;
	s1 =	sshrl.u32 s1, $0x2  }
0xbc: {  	s3 =	sand.u32 $0x4000, s31;
	s1 =	sadd.s32 s1, s30  }
0xbd: {  	s0 =	sor.u32 s3, s0;
	s1 =	sshll.u32 s1, $0x11  }
0xbe: {  	s0 =	sor.u32 s1, s0  }
0xbf: {  	s0 =	sadd.s32 $0x8F2B, s0  }
0xc0: {  	[sflag:s0] =	ssyncadd.remote.s32 $0x1  }
0xc1: {  	_ =	sfence.sel $0xFFFF  }
0xc2: {  	[dreg:$0x0] =	wrdreg $0xFFFFFFFF;
	(pc) =	sbr.abs _section_cstart, $3  }
0xc3: {  	[dreg:$0x1] =	wrdreg $0xFFFFFFFF  }
0xc4: {  	_ =	task.clear_ibuf [dreg:s8], $0x2FFFF;
	_ =	strace $0x9FFFFFFF  }
0xc5: {  	(tm) =	ssettm $0x7FFFFFFF  }
tec
execute0_lowered:
.L_overlay_start_1:
0x0: {  	(tag) =	ssettag $0x1  }
0x1: {  	s1 =	rddreg [dreg:$0x0]  }
0x2: {  	s0 =	rddreg [dreg:$0x1]  }
0x3: {  	s3 =	rddreg [dreg:$0x2]  }
0x4: {  	s2 =	rddreg [dreg:$0x3];
	s4 =	simm.s32 $0x0;
	s5 =	srdreg.scid  }
0x5: {  	s11 =	stileid.u32;
	[smem:$0x7FF] =	sst s4  }
0x6: {  	s5 =	sand.u32 $0x1, s5;
	s6 =	smul.u32 $0x2800, s11;
	s12 =	sadd.s32 $0xA800, s0  }
0x7: {  	s13 =	sadd.s32 $0xA00, s0;
	s9 =	sadd.s32 $0x14C00, s0;
	s10 =	smul.u32 $0x50000, s11  }
0x8: {  	s14 =	sadd.s32 $0x14600, s0;
	s26 =	smul.u32 $0x2710, s11;
	_ =	strace $0x80000047  }
0x9: {  	s7 =	sshll.u32 s5, $0x4;
	s8 =	smul.u32 $0x28000, s5;
	[dreg:$0x5] =	wrdreg s9  }
0xa: {  	s15 =	ssub.s32 $0x2, s5;
	[dreg:$0x6] =	wrdreg s14;
	s5 =	smul.u32 $0x27100, s5  }
0xb: {  	s31 =	smov.u32 s13;
	s30 =	smov.u32 s12;
	s7 =	sor.u32 s11, s7  }
0xc: {  	s16 =	sshrl.u32 s15, $0x1;
	s17 =	sshrl.u32 s10, $0x2;
	s10 =	simm.s32 $0x1C000  }
0xd: {  	s29 =	smul.u32 $0x2710, s7;
	s6 =	sadd.s32 s6, s8;
	s8 =	sadd.s32 s17, s2  }
0xe: {  	s7 =	smul.u32 $0x500, s7;
	s5 =	sadd.s32 s26, s5;
	s26 =	sshll.u32 s11, $0x6  }
0xf: {  	s11 =	simm.s32 $0x1;
	s0 =	sadd.s32 s6, s0;
	[dreg:$0x7] =	wrdreg s8  }
0x10: {  	s6 =	ssub.s32 s15, s16;
	[dreg:$0x1e] =	wrdreg s26;
	s3 =	sadd.s32 s3, s7  }
0x11: {  	s15 =	sadd.s32 $0x320, s5;
	s0 =	sadd.s32 $0x17400, s0;
	[dreg:$0x12] =	wrdreg s3  }
0x12: {  	s9 =	sshrl.u32 s29, $0x3;
	s6 =	smax.u32 s6, $0x1;
	[dreg:$0x13] =	wrdreg s0  }
0x13: {  	s17 =	sadd.s32 $0x2D0, s5;
	s18 =	sadd.s32 s12, s9;
	[dreg:$0x14] =	wrdreg s6  }
0x14: {  	s16 =	sshrl.u32 s15, $0x3;
	s20 =	sadd.s32 s13, s9;
	[dreg:$0x8] =	wrdreg s18  }
0x15: {  	s19 =	sadd.s32 $0xA, s9;
	s0 =	sadd.s32 s16, s12;
	[dreg:$0x9] =	wrdreg s20  }
0x16: {  	s7 =	simm.s32 $0x8;
	s21 =	sadd.s32 s12, s19;
	[dreg:$0x16] =	wrdreg s0  }
0x17: {  	s22 =	sadd.s32 $0x14, s9;
	s8 =	sadd.s32 s13, s19;
	[dreg:$0xa] =	wrdreg s21  }
0x18: {  	s15 =	simm.s32 $0xA;
	s23 =	sadd.s32 s12, s22;
	[dreg:$0xb] =	wrdreg s8  }
0x19: {  	s25 =	sadd.s32 $0x1E, s9;
	s24 =	sadd.s32 s13, s22;
	[dreg:$0xc] =	wrdreg s23  }
0x1a: {  	s9 =	sadd.s32 $0x28, s9;
	s28 =	sadd.s32 s12, s25;
	[dreg:$0xd] =	wrdreg s24  }
0x1b: {  	s3 =	sshrl.u32 s17, $0x3;
	s29 =	sadd.s32 s12, s9;
	[dreg:$0xe] =	wrdreg s28  }
0x1c: {  	s17 =	simm.s32 $0x14180;
	s14 =	sadd.s32 s13, s9;
	[dreg:$0x10] =	wrdreg s29  }
0x1d: {  	s6 =	simm.s32 $0x6;
	s18 =	sadd.s32 s16, s13;
	[dreg:$0x11] =	wrdreg s14  }
0x1e: {  	s19 =	sadd.s32 s3, s13;
	s20 =	sadd.s32 $0x280, s5;
	[dreg:$0x15] =	wrdreg s18  }
0x1f: {  	s3 =	sadd.s32 s3, s12;
	s9 =	simm.s32 $0x50;
	[dreg:$0x17] =	wrdreg s19  }
0x20: {  	s16 =	simm.s32 $0x3;
	s8 =	sadd.s32 s13, s25;
	[dreg:$0x18] =	wrdreg s3  }
0x21: {  	s0 =	sshrl.u32 s20, $0x3;
	s21 =	sadd.s32 $0x230, s5;
	s24 =	sadd.s32 $0x190, s5  }
0x22: {  	s25 =	sadd.s32 $0x1E0, s5;
	s29 =	sor.u32 $0x1C04, s26;
	s18 =	simm.s32 $0x14580  }
0x23: {  	s19 =	simm.s32 $0x14200;
	s20 =	simm.s32 $0x14600;
	[dreg:$0xf] =	wrdreg s8  }
0x24: {  	s14 =	simm.s32 $0x2;
	s5 =	simm.s32 $0xB;
	[dreg:$0x1d] =	wrdreg s25  }
0x25: {  	s22 =	sadd.s32 s0, s13;
	s0 =	sadd.s32 s0, s12;
	[smem:$0x7FD] =	sst s29  }
0x26: {  	s23 =	sshrl.u32 s21, $0x3;
	s21 =	simm.s32 $0x4;
	[dreg:$0x19] =	wrdreg s22  }
0x27: {  	s8 =	simm.s32 $0x17000;
	[dreg:$0x1a] =	wrdreg s0;
	s3 =	sadd.s32 s23, s13  }
.Ltmp0:
0x28: {  	s0 =	sadd.s32 s23, s12;
	[dreg:$0x1b] =	wrdreg s3;
	(pc) =	sbr.rel .LBB2_1-.Ltmp0, $4  }
0x29: {  	s22 =	simm.s32 $0x5;
	[dreg:$0x1c] =	wrdreg s0;
	s0 =	sshrl.u32 s24, $0x3  }
0x2a: {  	s3 =	simm.s32 $0x14800;
	s24 =	simm.s32 $0x0;
	s28 =	sadd.s32 s0, s13  }
0x2b: {  	s0 =	sadd.s32 s0, s12;
	s12 =	simm.s32 $0x9;
	[dreg:$0x1f] =	wrdreg s28  }
0x2c: {  	v0 =	vimm.f32 $1.000000000e+00;
	s13 =	simm.s32 $0x19800;
	[smem:$0x7FC] =	sst s0;
	s0 =	simm.s32 $0x7  }
.LBB2_4:
0x2d: {  	v1 =	vld [tilespmem:$0x14600];
	_ =	sdelay $0x7  }
0x2e: {  	[tilespmem:v1+s10+$0x0] =	vst.idx.add.f32.msk $0xffff, v0  }
0x2f: {  	v1 =	vld [tilespmem:$0x14610];
	_ =	sdelay $0x7  }
0x30: {  	[tilespmem:v1+s10+$0x0] =	vst.idx.add.f32.msk $0xffff, v0  }
0x31: {  	v1 =	vld [tilespmem:$0x14620];
	_ =	sdelay $0x7  }
0x32: {  	[tilespmem:v1+s10+$0x0] =	vst.idx.add.f32.msk $0xffff, v0  }
0x33: {  	v1 =	vld [tilespmem:$0x14630];
	_ =	sdelay $0x7  }
0x34: {  	[tilespmem:v1+s10+$0x0] =	vst.idx.add.f32.msk $0xffff, v0  }
0x35: {  	v1 =	vld [tilespmem:$0x14640];
	_ =	sdelay $0x7  }
0x36: {  	[tilespmem:v1+s10+$0x0] =	vst.idx.add.f32.msk $0xffff, v0  }
0x37: {  	_ =	swait.ge [sflag:s22], $0x2800  }
0x38: {  	[sflag:s22] =	ssyncset.done $0x0  }
0x39: {  	s23 =	rddreg [dreg:$0x12];
	[sflag:s22] =	ssyncadd.s32 $0xFFFFD800  }
0x3a: {  	[hbm4b:s23+s4] =	stream.linear.scatter [tilespmem:s10], [sflag:$0x1], $0x2800, $0x38;
	[tilespmem:$0x1E800] =	vst v63  }
0x3b: {  	[bflag:$0x0] =	sbarrier.arrive $0xFFFF  }
0x3c: {  	s25 =	rddreg [dreg:$0x1e]  }
0x3d: {  	s23 =	sor.u32 $0x1C0D, s25;
	s25 =	sld [smem:$0x7FB];
	_ =	sdelay $0x1  }
0x3e: {  	s26 =	simm.s32 $0xD;
	s24 =	rddreg [dreg:$0x13]  }
0x3f: {  	[hbm:s24], [sflag:s23] =	dma.local [spmem:s25], $0x2800  }
0x40: {  	_ =	swait.ge [sflag:s26], $0x2800  }
0x41: {  	[sflag:s26] =	ssyncset.done $0x0  }
0x42: {  	[sflag:s26] =	ssyncadd.s32 $0xFFFFD800  }
0x43: {  	_ =	swait.ge [sflag:s11], $0x2800  }
0x44: {  	s28 =	sld [smem:$0x7FA];
	_ =	sdelay $0x2  }
0x45: {  	s29 =	rddreg [dreg:$0x14];
	s24 =	sadd.s32 $0x1, s28  }
0x46: {  	p0 =	sne.s32 s24, s29  }
.Ltmp1:
0x47: {  	_ = 	snop;
	(pc) =	sbr.rel @!p0 .LBB2_5-.Ltmp1, $3  }
0x48: {  	_ =	sdelay $0x1  }
0x49: {  	[sflag:s11] =	ssyncset.done $0x0  }
0x4a: {  	[sflag:s11] =	ssyncadd.s32 $0xFFFFD800  }
.LBB2_1:
0x4b: {  	[smem:$0x7FA] =	sst s24  }
0x4c: {  	s23 =	rddreg [dreg:$0x7]  }
0x4d: {  	s28 =	sld [smem:$0x7FD]  }
0x4e: {  	s26 =	rddreg [dreg:$0x5];
	s25 =	sshrl.u32 s23, $0x3  }
0x4f: {  	[smem:$0x7FB] =	sst s25  }
0x50: {  	[spmem:s25], [sflag:s28] =	dma.local [hbm:s26], $0x2800  }
0x51: {  	s23 =	rddreg [dreg:$0x6]  }
0x52: {  	[tilespmem:s10], [sflag:$0x5] =	stream.linear.gather [hbm4b:s23+s4], $0x2800, $0x38;
	[tilespmem:$0x1E800] =	vst v63  }
0x53: {  	s24 =	simm.s32 $0x14000;
	s29 =	rddreg [dreg:$0x8]  }
0x54: {  	[tilespmem:s24], [sflag:$0x7] =	stream.linear.gather [hbm4b:s29+s4], $0x50, $0x38;
	[tilespmem:$0x1E800] =	vst v63  }
0x55: {  	s26 =	simm.s32 $0x14400;
	s25 =	rddreg [dreg:$0x9]  }
0x56: {  	[tilespmem:s26], [sflag:$0x7] =	stream.linear.gather [hbm4b:s25+s4], $0x50, $0x38;
	[tilespmem:$0x1E800] =	vst v63  }
0x57: {  	s28 =	rddreg [dreg:$0xa];
	s25 =	simm.s32 $0x14080  }
0x58: {  	[tilespmem:s25], [sflag:$0x8] =	stream.linear.gather [hbm4b:s28+s4], $0x50, $0x38;
	[tilespmem:$0x1E800] =	vst v63  }
0x59: {  	s29 =	rddreg [dreg:$0xb];
	s26 =	simm.s32 $0x14480  }
0x5a: {  	[tilespmem:s26], [sflag:$0x8] =	stream.linear.gather [hbm4b:s29+s4], $0x50, $0x38;
	[tilespmem:$0x1E800] =	vst v63  }
0x5b: {  	s28 =	rddreg [dreg:$0xc];
	s29 =	simm.s32 $0x14100  }
0x5c: {  	[tilespmem:s29], [sflag:$0x9] =	stream.linear.gather [hbm4b:s28+s4], $0x50, $0x38;
	[tilespmem:$0x1E800] =	vst v63  }
0x5d: {  	s26 =	rddreg [dreg:$0xd];
	s28 =	simm.s32 $0x14500  }
0x5e: {  	[tilespmem:s28], [sflag:$0x9] =	stream.linear.gather [hbm4b:s26+s4], $0x50, $0x38;
	[tilespmem:$0x1E800] =	vst v63  }
0x5f: {  	s29 =	rddreg [dreg:$0xe]  }
0x60: {  	[tilespmem:s17], [sflag:$0xA] =	stream.linear.gather [hbm4b:s29+s4], $0x50, $0x38;
	[tilespmem:$0x1E800] =	vst v63  }
0x61: {  	s26 =	rddreg [dreg:$0xf]  }
0x62: {  	[tilespmem:s18], [sflag:$0xA] =	stream.linear.gather [hbm4b:s26+s4], $0x50, $0x38;
	[tilespmem:$0x1E800] =	vst v63  }
0x63: {  	s28 =	rddreg [dreg:$0x10]  }
0x64: {  	[tilespmem:s19], [sflag:$0xB] =	stream.linear.gather [hbm4b:s28+s4], $0x50, $0x38;
	[tilespmem:$0x1E800] =	vst v63  }
0x65: {  	s29 =	rddreg [dreg:$0x11]  }
0x66: {  	[tilespmem:s20], [sflag:$0xB] =	stream.linear.gather [hbm4b:s29+s4], $0x50, $0x38;
	[tilespmem:$0x1E800] =	vst v63  }
0x67: {  	_ =	swait.ge [sflag:s21], $0x2800  }
0x68: {  	[sflag:s21] =	ssyncset.done $0x0  }
0x69: {  	[sflag:s21] =	ssyncadd.s32 $0xFFFFD800  }
0x6a: {  	_ =	swait.ge [sflag:s22], $0x2800  }
0x6b: {  	[sflag:s22] =	ssyncset.done $0x0  }
0x6c: {  	[sflag:s22] =	ssyncadd.s32 $0xFFFFD800  }
0x6d: {  	[bflag:$0x0] =	sbarrier.arrive $0xFFFF  }
0x6e: {  	_ =	swait.ge [sflag:s0], $0x50  }
0x6f: {  	[sflag:s0] =	ssyncset.done $0x0  }
0x70: {  	[sflag:s0] =	ssyncadd.s32 $0xFFFFFFB0  }
0x71: {  	_ =	swait.ge [sflag:s0], $0x50  }
0x72: {  	[sflag:s0] =	ssyncset.done $0x0  }
0x73: {  	[sflag:s0] =	ssyncadd.s32 $0xFFFFFFB0  }
0x74: {  	[tilespmem:s3], [sflag:$0x1] =	stream.indirect.gather [hbm4b:s1+s9], $0x80, s24, s9, $0xb8;
	[tilespmem:$0x1E800] =	vst v63  }
0x75: {  	_ =	swait.ge [sflag:s7], $0x50  }
0x76: {  	[sflag:s7] =	ssyncset.done $0x0  }
0x77: {  	[sflag:s7] =	ssyncadd.s32 $0xFFFFFFB0  }
0x78: {  	_ =	swait.ge [sflag:s7], $0x50  }
0x79: {  	[sflag:s7] =	ssyncset.done $0x0  }
0x7a: {  	s24 =	simm.s32 $0x0;
	s23 =	rddreg [dreg:$0x1d];
	[sflag:s7] =	ssyncadd.s32 $0xFFFFFFB0  }
0x7b: {  	[tilespmem:s8], [sflag:$0x2] =	stream.indirect.gather [hbm4b:s1+s9], $0x80, s25, s9, $0xb8;
	[tilespmem:$0x1E800] =	vst v63  }
.LBB2_2:
0x7c: {  	_ =	swait.ge [sflag:s11], $0x2800  }
0x7d: {  	[sflag:s11] =	ssyncset.done $0x0  }
0x7e: {  	s25 =	simm.s32 $0x14400;
	p0 =	seq.s32 s24, $0x0;
	[sflag:s11] =	ssyncadd.s32 $0xFFFFD800  }
0x7f: {  	[spmem:s2] =	stream.indirect.scatter.add.f32 [tilespmem:s3], [sflag:$0x4], $0x80, s25, s9, $0xb8;
	[tilespmem:$0x1E800] =	vst v63  }
0x80: {  	s25 =	simm.s32 @!p0 $0x6  }
0x81: {  	p1 =	seq.s32 @!p0 s24, $0x4B0;
	_ =	swait.ge @!p0 [sflag:s25], $0x2800  }
0x82: {  	p1 =	por p0, !p1;
	[sflag:s25] =	ssyncset.done @!p0 $0x0  }
0x83: {  	[sflag:s25] =	ssyncadd.s32 @!p0 $0xFFFFD800;
	s25 =	sld @p1 [smem:$0x7FC];
	_ =	sdelay $0x2  }
0x84: {  	s26 =	simm.s32 @p1 $0x14280;
	s25 =	sadd.s32 @p1 s24, s25  }
0x85: {  	[tilespmem:s26], [sflag:$0xC] =	stream.linear.gather @p1 [hbm4b:s25+s4], $0x50, $0x38;
	[tilespmem:$0x1E800] =	vst v63  }
0x86: {  	s25 =	rddreg @p1 [dreg:$0x1f]  }
0x87: {  	s26 =	simm.s32 @p1 $0x14680;
	s25 =	sadd.s32 @p1 s24, s25  }
0x88: {  	[tilespmem:s26], [sflag:$0xC] =	stream.linear.gather @p1 [hbm4b:s25+s4], $0x50, $0x38;
	[tilespmem:$0x1E800] =	vst v63  }
0x89: {  	_ =	swait.ge [sflag:s12], $0x50  }
0x8a: {  	[sflag:s12] =	ssyncset.done $0x0  }
0x8b: {  	[sflag:s12] =	ssyncadd.s32 $0xFFFFFFB0  }
0x8c: {  	_ =	swait.ge [sflag:s12], $0x50  }
0x8d: {  	[sflag:s12] =	ssyncset.done $0x0  }
0x8e: {  	s26 =	simm.s32 $0x14100;
	[sflag:s12] =	ssyncadd.s32 $0xFFFFFFB0  }
0x8f: {  	[tilespmem:s13], [sflag:$0x3] =	stream.indirect.gather [hbm4b:s1+s9], $0x80, s26, s9, $0xb8;
	[tilespmem:$0x1E800] =	vst v63  }
0x90: {  	v1 =	vld [tilespmem:$0x14400];
	_ =	sdelay $0x7  }
0x91: {  	[tilespmem:v1+s10+$0x0] =	vst.idx.add.f32.msk $0xffff, v0  }
0x92: {  	v1 =	vld [tilespmem:$0x14410];
	_ =	sdelay $0x7  }
0x93: {  	[tilespmem:v1+s10+$0x0] =	vst.idx.add.f32.msk $0xffff, v0  }
0x94: {  	v1 =	vld [tilespmem:$0x14420];
	_ =	sdelay $0x7  }
0x95: {  	[tilespmem:v1+s10+$0x0] =	vst.idx.add.f32.msk $0xffff, v0  }
0x96: {  	v1 =	vld [tilespmem:$0x14430];
	_ =	sdelay $0x7  }
0x97: {  	[tilespmem:v1+s10+$0x0] =	vst.idx.add.f32.msk $0xffff, v0  }
0x98: {  	v1 =	vld [tilespmem:$0x14440];
	_ =	sdelay $0x7  }
0x99: {  	[tilespmem:v1+s10+$0x0] =	vst.idx.add.f32.msk $0xffff, v0  }
0x9a: {  	_ =	swait.ge [sflag:s14], $0x2800  }
0x9b: {  	[sflag:s14] =	ssyncset.done $0x0  }
0x9c: {  	s28 =	simm.s32 $0x14480;
	[sflag:s14] =	ssyncadd.s32 $0xFFFFD800  }
0x9d: {  	[spmem:s2] =	stream.indirect.scatter.add.f32 [tilespmem:s8], [sflag:$0x5], $0x80, s28, s9, $0xb8;
	[tilespmem:$0x1E800] =	vst v63  }
0x9e: {  	p0 =	seq.s32 s24, $0x4B0;
	_ =	swait.ge [sflag:s21], $0x2800  }
0x9f: {  	s29 =	simm.s32 @!p0 $0x14000;
	s26 =	sshrl.u32 @!p0 s23, $0x3;
	[sflag:s21] =	ssyncset.done $0x0  }
0xa0: {  	s25 =	simm.s32 @!p0 $0x0;
	s28 =	sadd.s32 @!p0 s30, s26;
	[sflag:s21] =	ssyncadd.s32 $0xFFFFD800  }
0xa1: {  	[tilespmem:s29], [sflag:$0x7] =	stream.linear.gather @!p0 [hbm4b:s28+s25], $0x50, $0x38;
	[tilespmem:$0x1E800] =	vst v63  }
0xa2: {  	s26 =	sadd.s32 @!p0 s31, s26;
	s28 =	simm.s32 @!p0 $0x14400  }
0xa3: {  	[tilespmem:s28], [sflag:$0x7] =	stream.linear.gather @!p0 [hbm4b:s26+s25], $0x50, $0x38;
	[tilespmem:$0x1E800] =	vst v63  }
0xa4: {  	_ =	swait.ge [sflag:s15], $0x50  }
0xa5: {  	[sflag:s15] =	ssyncset.done $0x0  }
0xa6: {  	[sflag:s15] =	ssyncadd.s32 $0xFFFFFFB0  }
0xa7: {  	_ =	swait.ge [sflag:s15], $0x50  }
0xa8: {  	[sflag:s15] =	ssyncset.done $0x0  }
0xa9: {  	[sflag:s15] =	ssyncadd.s32 $0xFFFFFFB0  }
0xaa: {  	[tilespmem:s3], [sflag:$0x1] =	stream.indirect.gather [hbm4b:s1+s9], $0x80, s17, s9, $0xb8;
	[tilespmem:$0x1E800] =	vst v63  }
0xab: {  	v1 =	vld [tilespmem:$0x14480];
	_ =	sdelay $0x7  }
0xac: {  	[tilespmem:v1+s10+$0x0] =	vst.idx.add.f32.msk $0xffff, v0  }
0xad: {  	v1 =	vld [tilespmem:$0x14490];
	_ =	sdelay $0x7  }
0xae: {  	[tilespmem:v1+s10+$0x0] =	vst.idx.add.f32.msk $0xffff, v0  }
0xaf: {  	v1 =	vld [tilespmem:$0x144A0];
	_ =	sdelay $0x7  }
0xb0: {  	[tilespmem:v1+s10+$0x0] =	vst.idx.add.f32.msk $0xffff, v0  }
0xb1: {  	v1 =	vld [tilespmem:$0x144B0];
	_ =	sdelay $0x7  }
0xb2: {  	[tilespmem:v1+s10+$0x0] =	vst.idx.add.f32.msk $0xffff, v0  }
0xb3: {  	v1 =	vld [tilespmem:$0x144C0];
	_ =	sdelay $0x7  }
0xb4: {  	[tilespmem:v1+s10+$0x0] =	vst.idx.add.f32.msk $0xffff, v0  }
0xb5: {  	_ =	swait.ge [sflag:s16], $0x2800  }
0xb6: {  	[sflag:s16] =	ssyncset.done $0x0  }
0xb7: {  	s29 =	simm.s32 $0x14500;
	[sflag:s16] =	ssyncadd.s32 $0xFFFFD800  }
0xb8: {  	[spmem:s2] =	stream.indirect.scatter.add.f32 [tilespmem:s13], [sflag:$0x6], $0x80, s29, s9, $0xb8;
	[tilespmem:$0x1E800] =	vst v63  }
0xb9: {  	_ =	swait.ge [sflag:s22], $0x2800  }
0xba: {  	[sflag:s22] =	ssyncset.done $0x0;
	s26 =	rddreg [dreg:$0x1c]  }
0xbb: {  	s28 =	simm.s32 @!p0 $0x14080;
	[sflag:s22] =	ssyncadd.s32 $0xFFFFD800;
	s26 =	sadd.s32 @!p0 s24, s26  }
0xbc: {  	[tilespmem:s28], [sflag:$0x8] =	stream.linear.gather @!p0 [hbm4b:s26+s25], $0x50, $0x38;
	[tilespmem:$0x1E800] =	vst v63  }
0xbd: {  	s26 =	rddreg [dreg:$0x1b]  }
0xbe: {  	s28 =	simm.s32 @!p0 $0x14480;
	s26 =	sadd.s32 @!p0 s24, s26  }
0xbf: {  	[tilespmem:s28], [sflag:$0x8] =	stream.linear.gather @!p0 [hbm4b:s26+s25], $0x50, $0x38;
	[tilespmem:$0x1E800] =	vst v63  }
0xc0: {  	_ =	swait.ge [sflag:s5], $0x50  }
0xc1: {  	[sflag:s5] =	ssyncset.done $0x0  }
0xc2: {  	[sflag:s5] =	ssyncadd.s32 $0xFFFFFFB0  }
0xc3: {  	_ =	swait.ge [sflag:s5], $0x50  }
0xc4: {  	[sflag:s5] =	ssyncset.done $0x0  }
0xc5: {  	[sflag:s5] =	ssyncadd.s32 $0xFFFFFFB0  }
0xc6: {  	[tilespmem:s8], [sflag:$0x2] =	stream.indirect.gather [hbm4b:s1+s9], $0x80, s19, s9, $0xb8;
	[tilespmem:$0x1E800] =	vst v63  }
0xc7: {  	v1 =	vld [tilespmem:$0x14500];
	_ =	sdelay $0x7  }
0xc8: {  	[tilespmem:v1+s10+$0x0] =	vst.idx.add.f32.msk $0xffff, v0  }
0xc9: {  	v1 =	vld [tilespmem:$0x14510];
	_ =	sdelay $0x7  }
0xca: {  	[tilespmem:v1+s10+$0x0] =	vst.idx.add.f32.msk $0xffff, v0  }
0xcb: {  	v1 =	vld [tilespmem:$0x14520];
	_ =	sdelay $0x7  }
0xcc: {  	[tilespmem:v1+s10+$0x0] =	vst.idx.add.f32.msk $0xffff, v0  }
0xcd: {  	v1 =	vld [tilespmem:$0x14530];
	_ =	sdelay $0x7  }
0xce: {  	[tilespmem:v1+s10+$0x0] =	vst.idx.add.f32.msk $0xffff, v0  }
0xcf: {  	v1 =	vld [tilespmem:$0x14540];
	_ =	sdelay $0x7  }
0xd0: {  	[tilespmem:v1+s10+$0x0] =	vst.idx.add.f32.msk $0xffff, v0  }
0xd1: {  	_ =	swait.ge [sflag:s11], $0x2800  }
0xd2: {  	[sflag:s11] =	ssyncset.done $0x0  }
0xd3: {  	[sflag:s11] =	ssyncadd.s32 $0xFFFFD800  }
0xd4: {  	[spmem:s2] =	stream.indirect.scatter.add.f32 [tilespmem:s3], [sflag:$0x4], $0x80, s18, s9, $0xb8;
	[tilespmem:$0x1E800] =	vst v63  }
0xd5: {  	_ =	swait.ge [sflag:s6], $0x2800  }
0xd6: {  	[sflag:s6] =	ssyncset.done $0x0;
	s26 =	rddreg [dreg:$0x1a]  }
0xd7: {  	s28 =	simm.s32 @!p0 $0x14100;
	[sflag:s6] =	ssyncadd.s32 $0xFFFFD800;
	s26 =	sadd.s32 @!p0 s24, s26  }
0xd8: {  	[tilespmem:s28], [sflag:$0x9] =	stream.linear.gather @!p0 [hbm4b:s26+s25], $0x50, $0x38;
	[tilespmem:$0x1E800] =	vst v63  }
0xd9: {  	s26 =	rddreg [dreg:$0x19]  }
0xda: {  	s28 =	simm.s32 @!p0 $0x14500;
	s26 =	sadd.s32 @!p0 s24, s26  }
0xdb: {  	[tilespmem:s28], [sflag:$0x9] =	stream.linear.gather @!p0 [hbm4b:s26+s25], $0x50, $0x38;
	[tilespmem:$0x1E800] =	vst v63  }
0xdc: {  	s25 =	simm.s32 @!p0 $0xC  }
0xdd: {  	_ =	swait.ge @!p0 [sflag:s25], $0x50  }
0xde: {  	[sflag:s25] =	ssyncset.done @!p0 $0x0  }
0xdf: {  	[sflag:s25] =	ssyncadd.s32 @!p0 $0xFFFFFFB0  }
0xe0: {  	_ =	swait.ge @!p0 [sflag:s25], $0x50  }
0xe1: {  	s26 =	simm.s32 @!p0 $0x14280;
	[sflag:s25] =	ssyncset.done @!p0 $0x0  }
0xe2: {  	s28 =	simm.s32 @!p0 $0x19800;
	[sflag:s25] =	ssyncadd.s32 @!p0 $0xFFFFFFB0;
	s25 =	simm.s32 @!p0 $0x50  }
0xe3: {  	[tilespmem:s28], [sflag:$0x3] =	stream.indirect.gather @!p0 [hbm4b:s1+s25], $0x80, s26, s25, $0xb8;
	[tilespmem:$0x1E800] =	vst v63  }
0xe4: {  	v1 =	vld [tilespmem:$0x14580];
	_ =	sdelay $0x7  }
0xe5: {  	[tilespmem:v1+s10+$0x0] =	vst.idx.add.f32.msk $0xffff, v0  }
0xe6: {  	v1 =	vld [tilespmem:$0x14590];
	_ =	sdelay $0x7  }
0xe7: {  	[tilespmem:v1+s10+$0x0] =	vst.idx.add.f32.msk $0xffff, v0  }
0xe8: {  	v1 =	vld [tilespmem:$0x145A0];
	_ =	sdelay $0x7  }
0xe9: {  	[tilespmem:v1+s10+$0x0] =	vst.idx.add.f32.msk $0xffff, v0  }
0xea: {  	v1 =	vld [tilespmem:$0x145B0];
	_ =	sdelay $0x7  }
0xeb: {  	[tilespmem:v1+s10+$0x0] =	vst.idx.add.f32.msk $0xffff, v0  }
0xec: {  	v1 =	vld [tilespmem:$0x145C0];
	_ =	sdelay $0x7  }
0xed: {  	[tilespmem:v1+s10+$0x0] =	vst.idx.add.f32.msk $0xffff, v0  }
0xee: {  	_ =	swait.ge [sflag:s14], $0x2800  }
0xef: {  	[sflag:s14] =	ssyncset.done $0x0  }
.Ltmp2:
0xf0: {  	[sflag:s14] =	ssyncadd.s32 $0xFFFFD800;
	(pc) =	sbr.rel @p0 .LBB2_4-.Ltmp2, $4  }
0xf1: {  	[spmem:s2] =	stream.indirect.scatter.add.f32 [tilespmem:s8], [sflag:$0x5], $0x80, s20, s9, $0xb8;
	[tilespmem:$0x1E800] =	vst v63  }
0xf2: {  	_ =	swait.ge [sflag:s21], $0x2800  }
0xf3: {  	[sflag:s21] =	ssyncset.done $0x0  }
0xf4: {  	[sflag:s21] =	ssyncadd.s32 $0xFFFFD800  }
0xf5: {  	s25 =	rddreg [dreg:$0x18]  }
0xf6: {  	s26 =	rddreg [dreg:$0x17];
	s25 =	sadd.s32 s24, s25  }
0xf7: {  	[tilespmem:s17], [sflag:$0xA] =	stream.linear.gather [hbm4b:s25+s4], $0x50, $0x38;
	[tilespmem:$0x1E800] =	vst v63  }
0xf8: {  	s25 =	sadd.s32 s24, s26  }
0xf9: {  	[tilespmem:s18], [sflag:$0xA] =	stream.linear.gather [hbm4b:s25+s4], $0x50, $0x38;
	[tilespmem:$0x1E800] =	vst v63  }
0xfa: {  	_ =	swait.ge [sflag:s0], $0x50  }
0xfb: {  	[sflag:s0] =	ssyncset.done $0x0  }
0xfc: {  	[sflag:s0] =	ssyncadd.s32 $0xFFFFFFB0  }
0xfd: {  	_ =	swait.ge [sflag:s0], $0x50  }
0xfe: {  	[sflag:s0] =	ssyncset.done $0x0  }
0xff: {  	s28 =	simm.s32 $0x14000;
	[sflag:s0] =	ssyncadd.s32 $0xFFFFFFB0  }
0x100: {  	[tilespmem:s3], [sflag:$0x1] =	stream.indirect.gather [hbm4b:s1+s9], $0x80, s28, s9, $0xb8;
	[tilespmem:$0x1E800] =	vst v63  }
0x101: {  	v1 =	vld [tilespmem:$0x14600];
	_ =	sdelay $0x7  }
0x102: {  	[tilespmem:v1+s10+$0x0] =	vst.idx.add.f32.msk $0xffff, v0  }
0x103: {  	v1 =	vld [tilespmem:$0x14610];
	_ =	sdelay $0x7  }
0x104: {  	[tilespmem:v1+s10+$0x0] =	vst.idx.add.f32.msk $0xffff, v0  }
0x105: {  	v1 =	vld [tilespmem:$0x14620];
	_ =	sdelay $0x7  }
0x106: {  	[tilespmem:v1+s10+$0x0] =	vst.idx.add.f32.msk $0xffff, v0  }
0x107: {  	v1 =	vld [tilespmem:$0x14630];
	_ =	sdelay $0x7  }
0x108: {  	[tilespmem:v1+s10+$0x0] =	vst.idx.add.f32.msk $0xffff, v0  }
0x109: {  	v1 =	vld [tilespmem:$0x14640];
	_ =	sdelay $0x7  }
0x10a: {  	[tilespmem:v1+s10+$0x0] =	vst.idx.add.f32.msk $0xffff, v0  }
0x10b: {  	_ =	swait.ge [sflag:s16], $0x2800  }
0x10c: {  	[sflag:s16] =	ssyncset.done $0x0  }
0x10d: {  	s29 =	simm.s32 $0x14680;
	[sflag:s16] =	ssyncadd.s32 $0xFFFFD800  }
0x10e: {  	[spmem:s2] =	stream.indirect.scatter.add.f32 [tilespmem:s13], [sflag:$0x6], $0x80, s29, s9, $0xb8;
	[tilespmem:$0x1E800] =	vst v63  }
0x10f: {  	_ =	swait.ge [sflag:s22], $0x2800  }
0x110: {  	[sflag:s22] =	ssyncset.done $0x0;
	s26 =	rddreg [dreg:$0x16]  }
0x111: {  	s28 =	rddreg [dreg:$0x15];
	[sflag:s22] =	ssyncadd.s32 $0xFFFFD800;
	s25 =	sadd.s32 s24, s26  }
0x112: {  	[tilespmem:s19], [sflag:$0xB] =	stream.linear.gather [hbm4b:s25+s4], $0x50, $0x38;
	[tilespmem:$0x1E800] =	vst v63  }
0x113: {  	s25 =	sadd.s32 s24, s28  }
0x114: {  	[tilespmem:s20], [sflag:$0xB] =	stream.linear.gather [hbm4b:s25+s4], $0x50, $0x38;
	[tilespmem:$0x1E800] =	vst v63  }
0x115: {  	_ =	swait.ge [sflag:s7], $0x50  }
0x116: {  	[sflag:s7] =	ssyncset.done $0x0  }
0x117: {  	[sflag:s7] =	ssyncadd.s32 $0xFFFFFFB0  }
0x118: {  	_ =	swait.ge [sflag:s7], $0x50  }
0x119: {  	[sflag:s7] =	ssyncset.done $0x0  }
0x11a: {  	s29 =	simm.s32 $0x14080;
	[sflag:s7] =	ssyncadd.s32 $0xFFFFFFB0  }
0x11b: {  	[tilespmem:s8], [sflag:$0x2] =	stream.indirect.gather [hbm4b:s1+s9], $0x80, s29, s9, $0xb8;
	[tilespmem:$0x1E800] =	vst v63  }
0x11c: {  	v1 =	vld [tilespmem:$0x14680];
	_ =	sdelay $0x7  }
0x11d: {  	[tilespmem:v1+s10+$0x0] =	vst.idx.add.f32.msk $0xffff, v0  }
0x11e: {  	v1 =	vld [tilespmem:$0x14690];
	_ =	sdelay $0x7  }
0x11f: {  	[tilespmem:v1+s10+$0x0] =	vst.idx.add.f32.msk $0xffff, v0  }
0x120: {  	v1 =	vld [tilespmem:$0x146A0];
	_ =	sdelay $0x7  }
0x121: {  	[tilespmem:v1+s10+$0x0] =	vst.idx.add.f32.msk $0xffff, v0  }
0x122: {  	v1 =	vld [tilespmem:$0x146B0];
	_ =	sdelay $0x7  }
0x123: {  	[tilespmem:v1+s10+$0x0] =	vst.idx.add.f32.msk $0xffff, v0  }
0x124: {  	v1 =	vld [tilespmem:$0x146C0];
	_ =	sdelay $0x3  }
.Ltmp3:
0x125: {  	_ = 	snop;
	(pc) =	sbr.rel .LBB2_2-.Ltmp3, $2  }
0x126: {  	_ =	sdelay $0x2  }
0x127: {  	s23 =	sadd.s32 $0x1E0, s23;
	s24 =	sadd.s32 $0x3C, s24;
	[tilespmem:v1+s10+$0x0] =	vst.idx.add.f32.msk $0xffff, v0  }
.LBB2_5:
0x128: {  	_ =	sfence.sel $0x180000  }
0x129: {  	[bflag:$0x0] =	sbarrier.arrive $0xFFFF  }
0x12a: {  	_ =	strace $0x90000047  }
0x12b: {  	s0 =	stileid.u32;
	[bflag:$0x2] =	sbarrier.arrive $0xFFFF  }
0x12c: {  	p0 =	sne.s32 s0, $0x0;
	s0 =	rddreg [dreg:$0x4]  }
0x12d: {  	s0 =	sadd.s32 @!p0 $0x100000, s0  }
0x12e: {  	[sflag:s0] =	ssyncadd.tile.s32 @!p0 $0x1;
	_ =	shalt  }
.Lfunc_end2:
_tile_overlayer_lowered:
.L_overlay_start_2:
0x12f: {  	(tag) =	ssettag $0x2  }
0x130: {  	s0 =	rddreg [dreg:$0x0];
	s2 =	stileid.u32  }
0x131: {  	s1 =	rddreg [dreg:$0x1];
	p0 =	sne.s32 s2, $0x0  }
0x132: {  	s3 =	rddreg [dreg:$0x2];
	[bflag:$0x3] =	sbarrier.arrive $0xFFFF;
	s2 =	simm.s32 @!p0 $0x1C0D  }
0x133: {  	[timem:s3], [sflag:s2] =	dma.local @!p0 [hbm:s0], s1  }
0x134: {  	s0 =	simm.s32 @!p0 $0xD  }
0x135: {  	_ =	swait.ge @!p0 [sflag:s0], s1  }
0x136: {  	s1 =	ssub.s32 @!p0 $0x0, s1;
	[sflag:s0] =	ssyncset.done @!p0 $0x0  }
0x137: {  	[sflag:s0] =	ssyncadd.s32 @!p0 s1  }
0x138: {  	[bflag:$0x3] =	sbarrier.arrive $0xFFFF  }
0x139: {  	_ =	shalt  }

</sc_bundles>
